<compile_context>
chip_gen: v7x
topology: tpu7x:2x2x1
jax: 0.10.2.dev20260603
libtpu: 0.0.44.dev20260713+nightly
codegen_flags: <defaults>
</compile_context>

<pallas_src>
import functools
import math

import jax
import jax.numpy as jnp
from jax import lax
from jax.experimental import pallas as pl
from jax.experimental.pallas import tpu as pltpu
from jax.experimental.pallas import tpu_sc as plsc

EMBED_DIM = 64
SEQ_LEN = 200
NUM_CORES = 2
NUM_SUBCORES = 16
LANES = 16
CHUNK = 400


def _make_sinusoidal_pe(seq_len, dim):
    position = jnp.arange(0, seq_len, dtype=jnp.float32)[:, None]
    div_term = jnp.exp(
        jnp.arange(0, dim, 2, dtype=jnp.float32) * -(math.log(10000.0) / dim)
    )
    pe = jnp.zeros((seq_len, dim), dtype=jnp.float32)
    pe = pe.at[:, 0::2].set(jnp.sin(position * div_term))
    pe = pe.at[:, 1::2].set(jnp.cos(position * div_term))
    return pe


def _sc_embed(ids_flat, table, pe_pair, *, dim, chunk, num_cores,
              num_subcores):
    num_workers = num_cores * num_subcores
    b = ids_flat.shape[0]
    b_per_w = b // num_workers
    n_chunks = b_per_w // chunk
    half = chunk // 2
    mesh = plsc.VectorSubcoreMesh(
        core_axis_name="c", subcore_axis_name="s",
        num_cores=num_cores, num_subcores=num_subcores,
    )

    @functools.partial(
        pl.kernel,
        out_type=jax.ShapeDtypeStruct((b // 2, 2 * dim), jnp.float32),
        mesh=mesh,
        scratch_types=[
            pltpu.VMEM((2, chunk), jnp.int32),
            pltpu.VMEM((chunk, dim), jnp.float32),
            pltpu.VMEM((chunk, dim), jnp.float32),
            pltpu.VMEM((half, 2 * dim), jnp.float32),
            pltpu.VMEM((half, 2 * dim), jnp.float32),
            pltpu.VMEM((half, 2 * dim), jnp.float32),
            pltpu.SemaphoreType.DMA,
            pltpu.SemaphoreType.DMA,
            pltpu.SemaphoreType.DMA,
            pltpu.SemaphoreType.DMA,
            pltpu.SemaphoreType.DMA,
            pltpu.SemaphoreType.DMA,
        ],
        compiler_params=pltpu.CompilerParams(
            use_tc_tiling_on_sc=False,
            skip_device_barrier=True,
        ),
    )
    def run(ids_hbm, table_hbm, pe_hbm, out_hbm,
            idx_v, rows0_v, rows1_v, stg0_v, stg1_v, pe_v,
            isem0, isem1, gsem0, gsem1, osem0, osem1):
        rows = (rows0_v, rows1_v)
        stg = (stg0_v, stg1_v)
        isem = (isem0, isem1)
        gsem = (gsem0, gsem1)
        osem = (osem0, osem1)
        wid = lax.axis_index("s") * num_cores + lax.axis_index("c")
        base = wid * b_per_w
        pltpu.sync_copy(pe_hbm, pe_v)

        def idx_copy(bi, g):
            row0 = base + g * chunk
            return pltpu.make_async_copy(
                ids_hbm.at[pl.ds(row0, chunk)], idx_v.at[bi], isem[bi])

        def gather(bi, g):
            return pltpu.make_async_copy(
                table_hbm.at[idx_v.at[bi]], rows[bi], gsem[bi])

        def store(bi, g):
            p0 = (base + g * chunk) // 2
            return pltpu.make_async_copy(
                stg[bi], out_hbm.at[pl.ds(p0, half)], osem[bi])

        idx_copy(0, 0).start()
        idx_copy(1, 1).start()
        idx_copy(0, 0).wait()
        gather(0, 0).start()

        @pl.loop(0, n_chunks, step=2)
        def _chunk_loop(g0):
            for bi in range(2):
                g = g0 + bi
                oth = 1 - bi

                @pl.when(g + 1 < n_chunks)
                def _launch_next_gather():
                    idx_copy(oth, g + 1).wait()
                    gather(oth, g + 1).start()

                gather(bi, g).wait()

                @pl.when(g + 2 < n_chunks)
                def _prefetch_idx():
                    idx_copy(bi, g + 2).start()

                @pl.when(g >= 2)
                def _drain_store():
                    store(bi, g - 2).wait()

                @pl.loop(0, half)
                def _pair_loop(p):
                    r0 = 2 * p
                    for j in range(2):
                        for c in range(dim // LANES):
                            stg[bi][p, pl.ds(j * dim + c * LANES, LANES)] = (
                                rows[bi][r0 + j, pl.ds(c * LANES, LANES)]
                                + pe_v[p, pl.ds(j * dim + c * LANES, LANES)]
                            )

                store(bi, g).start()

        store(n_chunks % 2, n_chunks - 2).wait()
        store(1 - (n_chunks % 2), n_chunks - 1).wait()

    return run(ids_flat, table, pe_pair)


def kernel(input_ids, token_embedding):
    batch, seq_len = input_ids.shape
    dim = token_embedding.shape[1]
    ids_flat = input_ids.reshape(-1).astype(jnp.int32)
    pe = _make_sinusoidal_pe(seq_len, dim)
    reps = CHUNK // seq_len
    pe_pair = jnp.concatenate([pe] * reps, axis=0).reshape(CHUNK // 2, 2 * dim)
    pairs = _sc_embed(
        ids_flat, token_embedding, pe_pair,
        dim=dim, chunk=CHUNK, num_cores=NUM_CORES, num_subcores=NUM_SUBCORES,
    )
    return pairs.reshape(batch, seq_len, dim)

# --- scband reference (transcript-rebuilt; emitter-appended) ---
"""Pipeline reference for scband-code-embedding-6425271075163 (READ-ONLY COPY).

The authoritative reference and input builder live on the scoring server;
editing this copy changes nothing except your own understanding.
"""

import jax, jax.numpy as jnp
import numpy as np
import math

VOCAB_SIZE = 1000000
EMBED_DIM = 64
MAX_SEQ_LEN = 512
BATCH = 4096
SEQ_LEN = 200


def _make_sinusoidal_pe(max_seq_len, dim):
    position = jnp.arange(0, max_seq_len, dtype=jnp.float32)[:, None]
    div_term = jnp.exp(jnp.arange(0, dim, 2, dtype=jnp.float32) * -(math.log(10000.0) / dim))
    pe = jnp.zeros((max_seq_len, dim), dtype=jnp.float32)
    pe = pe.at[:, 0::2].set(jnp.sin(position * div_term))
    pe = pe.at[:, 1::2].set(jnp.cos(position * div_term))
    return pe


def setup_inputs(seed: int = 0) -> dict:
    key = jax.random.key(seed)
    k_ids, k_tab = jax.random.split(key)
    input_ids = jax.random.randint(k_ids, (BATCH, SEQ_LEN), 0, VOCAB_SIZE, dtype=jnp.int64 if jax.config.jax_enable_x64 else jnp.int32)
    token_embedding = jax.random.normal(k_tab, (VOCAB_SIZE, EMBED_DIM), dtype=jnp.float32)
    return {"input_ids": input_ids, "token_embedding": token_embedding}


def reference(input_ids, token_embedding):
    seq_len = input_ids.shape[1]
    # token embedding lookup (gather)
    token_embeddings = jnp.take(token_embedding, input_ids, axis=0)
    # sinusoidal positional embedding (frozen buffer)
    pe = _make_sinusoidal_pe(MAX_SEQ_LEN, EMBED_DIM)
    position_ids = jnp.arange(seq_len)
    position_embeddings = jnp.take(pe, position_ids, axis=0)[None, :, :]
    embeddings = token_embeddings + position_embeddings
    # dropout is identity in eval mode / deterministic reference
    return embeddings

if __name__ == "__main__":
    import jax
    _d = setup_inputs()
    print(jax.jit(kernel)(*tuple(_d.values())))

</pallas_src>

<mosaic_0001>
#map = affine_map<(d0, d1) -> (0)>
#map1 = affine_map<(d0, d1) -> (0, 0)>
module attributes {stable_mosaic.version = 14 : i64} {
  func.func @run(%arg0: i32, %arg1: i32, %arg2: memref<819200xi32, #tpu.memory_space<hbm>>, %arg3: memref<1000000x64xf32, #tpu.memory_space<hbm>>, %arg4: memref<200x128xf32, #tpu.memory_space<hbm>>, %arg5: memref<409600x128xf32, #tpu.memory_space<hbm>>, %arg6: memref<2x400xi32, #tpu.memory_space<vmem>>, %arg7: memref<400x64xf32, #tpu.memory_space<vmem>>, %arg8: memref<400x64xf32, #tpu.memory_space<vmem>>, %arg9: memref<200x128xf32, #tpu.memory_space<vmem>>, %arg10: memref<200x128xf32, #tpu.memory_space<vmem>>, %arg11: memref<200x128xf32, #tpu.memory_space<vmem>>, %arg12: memref<!tpu.dma_semaphore, #tpu.memory_space<semaphore_mem>>, %arg13: memref<!tpu.dma_semaphore, #tpu.memory_space<semaphore_mem>>, %arg14: memref<!tpu.dma_semaphore, #tpu.memory_space<semaphore_mem>>, %arg15: memref<!tpu.dma_semaphore, #tpu.memory_space<semaphore_mem>>, %arg16: memref<!tpu.dma_semaphore, #tpu.memory_space<semaphore_mem>>, %arg17: memref<!tpu.dma_semaphore, #tpu.memory_space<semaphore_mem>>) attributes {dimension_semantics = [#tpu.dimension_semantics<core_parallel>, #tpu.dimension_semantics<subcore_parallel>], iteration_bounds = array<i64: 2, 16>, scalar_prefetch = 0 : i64, scratch_operands = 12 : i64, tpu.core_type = #tpu.core_type<sc_vector_subcore>, window_params = [{transform_indices = #map}, {transform_indices = #map1}, {transform_indices = #map1}, {transform_indices = #map1}]} {
    %mul3A = arith.constant 2 : i32
    %mul3A_0 = arith.muli %arg1, %mul3A : i32
    %add3A = arith.addi %mul3A_0, %arg0 : i32
    %mul3A_1 = arith.constant 25600 : i32
    %mul3A_2 = arith.muli %add3A, %mul3A_1 : i32
    "tpu.region"() ({
      %run_scoped3A = tpu.sem_alloc : memref<!tpu.dma_semaphore, #tpu.memory_space<semaphore_mem>>
      tpu.enqueue_dma source(%arg4 : memref<200x128xf32, #tpu.memory_space<hbm>>) target(%arg11 : memref<200x128xf32, #tpu.memory_space<vmem>>) target_semaphore(%run_scoped3A : memref<!tpu.dma_semaphore, #tpu.memory_space<semaphore_mem>>)
      tpu.wait_dma2 semaphore(%run_scoped3A : memref<!tpu.dma_semaphore, #tpu.memory_space<semaphore_mem>>) src(%arg4 : memref<200x128xf32, #tpu.memory_space<hbm>>) dst(%arg11 : memref<200x128xf32, #tpu.memory_space<vmem>>)
      tpu.yield
    }) : () -> ()
    %add3A_3 = arith.constant 0 : i32
    %add3A_4 = arith.addi %mul3A_2, %add3A_3 : i32
    %dma_start3A = arith.constant 0 : i32
    %dma_start3A_5 = arith.constant 0 : i32
    %dma_start3A_6 = tpu.memref_slice %arg6[%dma_start3A, %dma_start3A_5] : memref<2x400xi32, #tpu.memory_space<vmem>> -> memref<1x400xi32, #tpu.memory_space<vmem>>
    %dma_start3A_7 = tpu.memref_squeeze %dma_start3A_6 : memref<1x400xi32, #tpu.memory_space<vmem>> -> memref<400xi32, #tpu.memory_space<vmem>>
    %dma_start3A_8 = tpu.memref_slice %arg2[%add3A_4] : memref<819200xi32, #tpu.memory_space<hbm>> -> memref<400xi32, #tpu.memory_space<hbm>>
    %dma_start3A_9 = arith.constant 0 : i32
    %dma_start3A_10 = tpu.memref_slice %arg6[%dma_start3A, %dma_start3A_9] : memref<2x400xi32, #tpu.memory_space<vmem>> -> memref<1x400xi32, #tpu.memory_space<vmem>>
    %dma_start3A_11 = tpu.memref_squeeze %dma_start3A_10 : memref<1x400xi32, #tpu.memory_space<vmem>> -> memref<400xi32, #tpu.memory_space<vmem>>
    %dma_start3A_12 = tpu.memref_slice %arg2[%add3A_4] : memref<819200xi32, #tpu.memory_space<hbm>> -> memref<400xi32, #tpu.memory_space<hbm>>
    tpu.enqueue_dma source(%dma_start3A_12 : memref<400xi32, #tpu.memory_space<hbm>>) target(%dma_start3A_11 : memref<400xi32, #tpu.memory_space<vmem>>) target_semaphore(%arg12 : memref<!tpu.dma_semaphore, #tpu.memory_space<semaphore_mem>>)
    %add3A_13 = arith.constant 400 : i32
    %add3A_14 = arith.addi %mul3A_2, %add3A_13 : i32
    %dma_start3A_15 = arith.constant 1 : i32
    %dma_start3A_16 = arith.constant 0 : i32
    %dma_start3A_17 = tpu.memref_slice %arg6[%dma_start3A_15, %dma_start3A_16] : memref<2x400xi32, #tpu.memory_space<vmem>> -> memref<1x400xi32, #tpu.memory_space<vmem>>
    %dma_start3A_18 = tpu.memref_squeeze %dma_start3A_17 : memref<1x400xi32, #tpu.memory_space<vmem>> -> memref<400xi32, #tpu.memory_space<vmem>>
    %dma_start3A_19 = tpu.memref_slice %arg2[%add3A_14] : memref<819200xi32, #tpu.memory_space<hbm>> -> memref<400xi32, #tpu.memory_space<hbm>>
    %dma_start3A_20 = arith.constant 0 : i32
    %dma_start3A_21 = tpu.memref_slice %arg6[%dma_start3A_15, %dma_start3A_20] : memref<2x400xi32, #tpu.memory_space<vmem>> -> memref<1x400xi32, #tpu.memory_space<vmem>>
    %dma_start3A_22 = tpu.memref_squeeze %dma_start3A_21 : memref<1x400xi32, #tpu.memory_space<vmem>> -> memref<400xi32, #tpu.memory_space<vmem>>
    %dma_start3A_23 = tpu.memref_slice %arg2[%add3A_14] : memref<819200xi32, #tpu.memory_space<hbm>> -> memref<400xi32, #tpu.memory_space<hbm>>
    tpu.enqueue_dma source(%dma_start3A_23 : memref<400xi32, #tpu.memory_space<hbm>>) target(%dma_start3A_22 : memref<400xi32, #tpu.memory_space<vmem>>) target_semaphore(%arg13 : memref<!tpu.dma_semaphore, #tpu.memory_space<semaphore_mem>>)
    %add3A_24 = arith.constant 0 : i32
    %add3A_25 = arith.addi %mul3A_2, %add3A_24 : i32
    %dma_wait3A = arith.constant 0 : i32
    %dma_wait3A_26 = arith.constant 0 : i32
    %dma_wait3A_27 = tpu.memref_slice %arg6[%dma_wait3A, %dma_wait3A_26] : memref<2x400xi32, #tpu.memory_space<vmem>> -> memref<1x400xi32, #tpu.memory_space<vmem>>
    %dma_wait3A_28 = tpu.memref_squeeze %dma_wait3A_27 : memref<1x400xi32, #tpu.memory_space<vmem>> -> memref<400xi32, #tpu.memory_space<vmem>>
    %dma_wait3A_29 = tpu.memref_slice %arg2[%add3A_25] : memref<819200xi32, #tpu.memory_space<hbm>> -> memref<400xi32, #tpu.memory_space<hbm>>
    %dma_wait3A_30 = arith.constant 0 : i32
    %dma_wait3A_31 = tpu.memref_slice %arg6[%dma_wait3A, %dma_wait3A_30] : memref<2x400xi32, #tpu.memory_space<vmem>> -> memref<1x400xi32, #tpu.memory_space<vmem>>
    %dma_wait3A_32 = tpu.memref_squeeze %dma_wait3A_31 : memref<1x400xi32, #tpu.memory_space<vmem>> -> memref<400xi32, #tpu.memory_space<vmem>>
    %dma_wait3A_33 = tpu.memref_slice %arg2[%add3A_25] : memref<819200xi32, #tpu.memory_space<hbm>> -> memref<400xi32, #tpu.memory_space<hbm>>
    tpu.wait_dma2 semaphore(%arg12 : memref<!tpu.dma_semaphore, #tpu.memory_space<semaphore_mem>>) src(%dma_wait3A_33 : memref<400xi32, #tpu.memory_space<hbm>>) dst(%dma_wait3A_32 : memref<400xi32, #tpu.memory_space<vmem>>)
    %dma_start3A_34 = arith.constant 0 : i32
    %dma_start3A_35 = arith.constant 0 : i32
    %dma_start3A_36 = tpu.memref_slice %arg6[%dma_start3A_34, %dma_start3A_35] : memref<2x400xi32, #tpu.memory_space<vmem>> -> memref<1x400xi32, #tpu.memory_space<vmem>>
    %dma_start3A_37 = tpu.memref_squeeze %dma_start3A_36 : memref<1x400xi32, #tpu.memory_space<vmem>> -> memref<400xi32, #tpu.memory_space<vmem>>
    %dma_start3A_38 = arith.constant 0 : i32
    %dma_start3A_39 = arith.constant 0 : i32
    %dma_start3A_40 = tpu.memref_slice %arg3[%dma_start3A_38, %dma_start3A_39] : memref<1000000x64xf32, #tpu.memory_space<hbm>> -> memref<1000000x64xf32, #tpu.memory_space<hbm>>
    tpu.enqueue_indirect_dma source(%dma_start3A_40 : memref<1000000x64xf32, #tpu.memory_space<hbm>>) target(%arg7 : memref<400x64xf32, #tpu.memory_space<vmem>>) offsets(%dma_start3A_37 : memref<400xi32, #tpu.memory_space<vmem>>) semaphore(%arg14 : memref<!tpu.dma_semaphore, #tpu.memory_space<semaphore_mem>>)
    %scan3A = arith.constant 0 : i32
    %scan3A_41 = arith.constant 32 : i32
    %scan3A_42 = arith.addi %scan3A, %scan3A_41 : i32
    %scan3A_43 = arith.constant 1 : i32
    scf.for %scan3A_97 = %scan3A to %scan3A_42 step %scan3A_43  : i32 {
      %mul3A_98 = arith.constant 2 : i32
      %mul3A_99 = arith.muli %scan3A_97, %mul3A_98 : i32
      %add3A_100 = arith.constant 0 : i32
      %add3A_101 = arith.addi %add3A_100, %mul3A_99 : i32
      %add3A_102 = arith.constant 0 : i32
      %add3A_103 = arith.addi %add3A_101, %add3A_102 : i32
      %add3A_104 = arith.constant 1 : i32
      %add3A_105 = arith.addi %add3A_103, %add3A_104 : i32
      %lt3A = arith.constant 64 : i32
      %lt3A_106 = arith.cmpi slt, %add3A_105, %lt3A : i32
      %convert_element_type3A = arith.extui %lt3A_106 : i1 to i32
      %cond3A = arith.constant 0 : i32
      %cond3A_107 = arith.cmpi ne, %convert_element_type3A, %cond3A : i32
      scf.if %cond3A_107 {
        %add3A_226 = arith.constant 1 : i32
        %add3A_227 = arith.addi %add3A_103, %add3A_226 : i32
        %mul3A_228 = arith.constant 400 : i32
        %mul3A_229 = arith.muli %add3A_227, %mul3A_228 : i32
        %add3A_230 = arith.addi %mul3A_2, %mul3A_229 : i32
        %dma_wait3A_231 = arith.constant 1 : i32
        %dma_wait3A_232 = arith.constant 0 : i32
        %dma_wait3A_233 = tpu.memref_slice %arg6[%dma_wait3A_231, %dma_wait3A_232] : memref<2x400xi32, #tpu.memory_space<vmem>> -> memref<1x400xi32, #tpu.memory_space<vmem>>
        %dma_wait3A_234 = tpu.memref_squeeze %dma_wait3A_233 : memref<1x400xi32, #tpu.memory_space<vmem>> -> memref<400xi32, #tpu.memory_space<vmem>>
        %dma_wait3A_235 = tpu.memref_slice %arg2[%add3A_230] : memref<819200xi32, #tpu.memory_space<hbm>> -> memref<400xi32, #tpu.memory_space<hbm>>
        %dma_wait3A_236 = arith.constant 0 : i32
        %dma_wait3A_237 = tpu.memref_slice %arg6[%dma_wait3A_231, %dma_wait3A_236] : memref<2x400xi32, #tpu.memory_space<vmem>> -> memref<1x400xi32, #tpu.memory_space<vmem>>
        %dma_wait3A_238 = tpu.memref_squeeze %dma_wait3A_237 : memref<1x400xi32, #tpu.memory_space<vmem>> -> memref<400xi32, #tpu.memory_space<vmem>>
        %dma_wait3A_239 = tpu.memref_slice %arg2[%add3A_230] : memref<819200xi32, #tpu.memory_space<hbm>> -> memref<400xi32, #tpu.memory_space<hbm>>
        tpu.wait_dma2 semaphore(%arg13 : memref<!tpu.dma_semaphore, #tpu.memory_space<semaphore_mem>>) src(%dma_wait3A_239 : memref<400xi32, #tpu.memory_space<hbm>>) dst(%dma_wait3A_238 : memref<400xi32, #tpu.memory_space<vmem>>)
        %add3A_240 = arith.constant 1 : i32
        %add3A_241 = arith.addi %add3A_103, %add3A_240 : i32
        %dma_start3A_242 = arith.constant 1 : i32
        %dma_start3A_243 = arith.constant 0 : i32
        %dma_start3A_244 = tpu.memref_slice %arg6[%dma_start3A_242, %dma_start3A_243] : memref<2x400xi32, #tpu.memory_space<vmem>> -> memref<1x400xi32, #tpu.memory_space<vmem>>
        %dma_start3A_245 = tpu.memref_squeeze %dma_start3A_244 : memref<1x400xi32, #tpu.memory_space<vmem>> -> memref<400xi32, #tpu.memory_space<vmem>>
        %dma_start3A_246 = arith.constant 0 : i32
        %dma_start3A_247 = arith.constant 0 : i32
        %dma_start3A_248 = tpu.memref_slice %arg3[%dma_start3A_246, %dma_start3A_247] : memref<1000000x64xf32, #tpu.memory_space<hbm>> -> memref<1000000x64xf32, #tpu.memory_space<hbm>>
        tpu.enqueue_indirect_dma source(%dma_start3A_248 : memref<1000000x64xf32, #tpu.memory_space<hbm>>) target(%arg8 : memref<400x64xf32, #tpu.memory_space<vmem>>) offsets(%dma_start3A_245 : memref<400xi32, #tpu.memory_space<vmem>>) semaphore(%arg15 : memref<!tpu.dma_semaphore, #tpu.memory_space<semaphore_mem>>)
      } else {
      }
      %dma_wait3A_108 = arith.constant 0 : i32
      %dma_wait3A_109 = arith.constant 0 : i32
      %dma_wait3A_110 = tpu.memref_slice %arg6[%dma_wait3A_108, %dma_wait3A_109] : memref<2x400xi32, #tpu.memory_space<vmem>> -> memref<1x400xi32, #tpu.memory_space<vmem>>
      %dma_wait3A_111 = tpu.memref_squeeze %dma_wait3A_110 : memref<1x400xi32, #tpu.memory_space<vmem>> -> memref<400xi32, #tpu.memory_space<vmem>>
      %dma_wait3A_112 = arith.constant 0 : i32
      %dma_wait3A_113 = arith.constant 0 : i32
      %dma_wait3A_114 = tpu.memref_slice %arg3[%dma_wait3A_112, %dma_wait3A_113] : memref<1000000x64xf32, #tpu.memory_space<hbm>> -> memref<1000000x64xf32, #tpu.memory_space<hbm>>
      tpu.wait_indirect_dma semaphore(%arg14 : memref<!tpu.dma_semaphore, #tpu.memory_space<semaphore_mem>>) src(%dma_wait3A_114 : memref<1000000x64xf32, #tpu.memory_space<hbm>>) dst(%arg7 : memref<400x64xf32, #tpu.memory_space<vmem>>)
      %add3A_115 = arith.constant 2 : i32
      %add3A_116 = arith.addi %add3A_103, %add3A_115 : i32
      %lt3A_117 = arith.constant 64 : i32
      %lt3A_118 = arith.cmpi slt, %add3A_116, %lt3A_117 : i32
      %convert_element_type3A_119 = arith.extui %lt3A_118 : i1 to i32
      %cond3A_120 = arith.constant 0 : i32
      %cond3A_121 = arith.cmpi ne, %convert_element_type3A_119, %cond3A_120 : i32
      scf.if %cond3A_121 {
        %add3A_226 = arith.constant 2 : i32
        %add3A_227 = arith.addi %add3A_103, %add3A_226 : i32
        %mul3A_228 = arith.constant 400 : i32
        %mul3A_229 = arith.muli %add3A_227, %mul3A_228 : i32
        %add3A_230 = arith.addi %mul3A_2, %mul3A_229 : i32
        %dma_start3A_231 = arith.constant 0 : i32
        %dma_start3A_232 = arith.constant 0 : i32
        %dma_start3A_233 = tpu.memref_slice %arg6[%dma_start3A_231, %dma_start3A_232] : memref<2x400xi32, #tpu.memory_space<vmem>> -> memref<1x400xi32, #tpu.memory_space<vmem>>
        %dma_start3A_234 = tpu.memref_squeeze %dma_start3A_233 : memref<1x400xi32, #tpu.memory_space<vmem>> -> memref<400xi32, #tpu.memory_space<vmem>>
        %dma_start3A_235 = tpu.memref_slice %arg2[%add3A_230] : memref<819200xi32, #tpu.memory_space<hbm>> -> memref<400xi32, #tpu.memory_space<hbm>>
        %dma_start3A_236 = arith.constant 0 : i32
        %dma_start3A_237 = tpu.memref_slice %arg6[%dma_start3A_231, %dma_start3A_236] : memref<2x400xi32, #tpu.memory_space<vmem>> -> memref<1x400xi32, #tpu.memory_space<vmem>>
        %dma_start3A_238 = tpu.memref_squeeze %dma_start3A_237 : memref<1x400xi32, #tpu.memory_space<vmem>> -> memref<400xi32, #tpu.memory_space<vmem>>
        %dma_start3A_239 = tpu.memref_slice %arg2[%add3A_230] : memref<819200xi32, #tpu.memory_space<hbm>> -> memref<400xi32, #tpu.memory_space<hbm>>
        tpu.enqueue_dma source(%dma_start3A_239 : memref<400xi32, #tpu.memory_space<hbm>>) target(%dma_start3A_238 : memref<400xi32, #tpu.memory_space<vmem>>) target_semaphore(%arg12 : memref<!tpu.dma_semaphore, #tpu.memory_space<semaphore_mem>>)
      } else {
      }
      %ge3A = arith.constant 2 : i32
      %ge3A_122 = arith.cmpi sge, %add3A_103, %ge3A : i32
      %convert_element_type3A_123 = arith.extui %ge3A_122 : i1 to i32
      %cond3A_124 = arith.constant 0 : i32
      %cond3A_125 = arith.cmpi ne, %convert_element_type3A_123, %cond3A_124 : i32
      scf.if %cond3A_125 {
        %sub3A_226 = arith.constant 2 : i32
        %sub3A_227 = arith.subi %add3A_103, %sub3A_226 : i32
        %mul3A_228 = arith.constant 400 : i32
        %mul3A_229 = arith.muli %sub3A_227, %mul3A_228 : i32
        %add3A_230 = arith.addi %mul3A_2, %mul3A_229 : i32
        %jit3A_231 = arith.constant 2 : i32
        %div3A_232 = arith.divsi %add3A_230, %jit3A_231 : i32
        %sign3A_233 = arith.constant 0 : i32
        %sign3A_234 = arith.cmpi sgt, %add3A_230, %sign3A_233 : i32
        %sign3A_235 = arith.extui %sign3A_234 : i1 to i32
        %sign3A_236 = arith.constant 0 : i32
        %sign3A_237 = arith.cmpi slt, %add3A_230, %sign3A_236 : i32
        %sign3A_238 = arith.extui %sign3A_237 : i1 to i32
        %sign3A_239 = arith.subi %sign3A_235, %sign3A_238 : i32
        %sign3A_240 = arith.constant 0 : i32
        %sign3A_241 = arith.cmpi sgt, %jit3A_231, %sign3A_240 : i32
        %sign3A_242 = arith.extui %sign3A_241 : i1 to i32
        %sign3A_243 = arith.constant 0 : i32
        %sign3A_244 = arith.cmpi slt, %jit3A_231, %sign3A_243 : i32
        %sign3A_245 = arith.extui %sign3A_244 : i1 to i32
        %sign3A_246 = arith.subi %sign3A_242, %sign3A_245 : i32
        %ne3A_247 = arith.cmpi ne, %sign3A_239, %sign3A_246 : i32
        %rem3A_248 = arith.remsi %add3A_230, %jit3A_231 : i32
        %ne3A_249 = arith.constant 0 : i32
        %ne3A_250 = arith.cmpi ne, %rem3A_248, %ne3A_249 : i32
        %and3A_251 = arith.andi %ne3A_247, %ne3A_250 : i1
        %sub3A_252 = arith.constant 1 : i32
        %sub3A_253 = arith.subi %div3A_232, %sub3A_252 : i32
        %select_n3A_254 = arith.select %and3A_251, %sub3A_253, %div3A_232 : i32
        %dma_wait3A_255 = arith.constant 0 : i32
        %dma_wait3A_256 = tpu.memref_slice %arg5[%select_n3A_254, %dma_wait3A_255] : memref<409600x128xf32, #tpu.memory_space<hbm>> -> memref<200x128xf32, #tpu.memory_space<hbm>>
        %dma_wait3A_257 = arith.constant 0 : i32
        %dma_wait3A_258 = tpu.memref_slice %arg5[%select_n3A_254, %dma_wait3A_257] : memref<409600x128xf32, #tpu.memory_space<hbm>> -> memref<200x128xf32, #tpu.memory_space<hbm>>
        tpu.wait_dma2 semaphore(%arg16 : memref<!tpu.dma_semaphore, #tpu.memory_space<semaphore_mem>>) src(%arg9 : memref<200x128xf32, #tpu.memory_space<vmem>>) dst(%dma_wait3A_258 : memref<200x128xf32, #tpu.memory_space<hbm>>)
      } else {
      }
      %scan3A_126 = arith.constant 0 : i32
      %scan3A_127 = arith.constant 200 : i32
      %scan3A_128 = arith.addi %scan3A_126, %scan3A_127 : i32
      %scan3A_129 = arith.constant 1 : i32
      scf.for %scan3A_226 = %scan3A_126 to %scan3A_128 step %scan3A_129  : i32 {
        %mul3A_227 = arith.constant 1 : i32
        %mul3A_228 = arith.muli %scan3A_226, %mul3A_227 : i32
        %add3A_229 = arith.constant 0 : i32
        %add3A_230 = arith.addi %add3A_229, %mul3A_228 : i32
        %mul3A_231 = arith.constant 2 : i32
        %mul3A_232 = arith.muli %mul3A_231, %add3A_230 : i32
        %add3A_233 = arith.constant 0 : i32
        %add3A_234 = arith.addi %mul3A_232, %add3A_233 : i32
        %get3A = arith.index_cast %add3A_234 : i32 to index
        %get3A_235 = arith.constant 0 : index
        %get3A_236 = tpu.vector_load %arg7[%get3A, %get3A_235] {strides = array<i32>} : memref<400x64xf32, #tpu.memory_space<vmem>>, vector<1x16xf32>,
        %get3A_237 = vector.shape_cast %get3A_236 : vector<1x16xf32> to vector<16xf32>
        %get3A_238 = arith.index_cast %add3A_230 : i32 to index
        %get3A_239 = arith.constant 0 : index
        %get3A_240 = tpu.vector_load %arg11[%get3A_238, %get3A_239] {strides = array<i32>} : memref<200x128xf32, #tpu.memory_space<vmem>>, vector<1x16xf32>,
        %get3A_241 = vector.shape_cast %get3A_240 : vector<1x16xf32> to vector<16xf32>
        %add3A_242 = arith.addf %get3A_237, %get3A_241 : vector<16xf32>
        %swap3A = arith.index_cast %add3A_230 : i32 to index
        %swap3A_243 = arith.constant 0 : index
        %swap3A_244 = tpu.vector_load %arg9[%swap3A, %swap3A_243] {strides = array<i32>} : memref<200x128xf32, #tpu.memory_space<vmem>>, vector<1x16xf32>,
        %swap3A_245 = vector.shape_cast %swap3A_244 : vector<1x16xf32> to vector<16xf32>
        %swap3A_246 = vector.shape_cast %add3A_242 : vector<16xf32> to vector<1x16xf32>
        tpu.vector_store %arg9[%swap3A, %swap3A_243], %swap3A_246 {strides = array<i32>} : memref<200x128xf32, #tpu.memory_space<vmem>>, vector<1x16xf32>,
        %add3A_247 = arith.constant 0 : i32
        %add3A_248 = arith.addi %mul3A_232, %add3A_247 : i32
        %get3A_249 = arith.index_cast %add3A_248 : i32 to index
        %get3A_250 = arith.constant 16 : index
        %get3A_251 = tpu.vector_load %arg7[%get3A_249, %get3A_250] {strides = array<i32>} : memref<400x64xf32, #tpu.memory_space<vmem>>, vector<1x16xf32>,
        %get3A_252 = vector.shape_cast %get3A_251 : vector<1x16xf32> to vector<16xf32>
        %get3A_253 = arith.index_cast %add3A_230 : i32 to index
        %get3A_254 = arith.constant 16 : index
        %get3A_255 = tpu.vector_load %arg11[%get3A_253, %get3A_254] {strides = array<i32>} : memref<200x128xf32, #tpu.memory_space<vmem>>, vector<1x16xf32>,
        %get3A_256 = vector.shape_cast %get3A_255 : vector<1x16xf32> to vector<16xf32>
        %add3A_257 = arith.addf %get3A_252, %get3A_256 : vector<16xf32>
        %swap3A_258 = arith.index_cast %add3A_230 : i32 to index
        %swap3A_259 = arith.constant 16 : index
        %swap3A_260 = tpu.vector_load %arg9[%swap3A_258, %swap3A_259] {strides = array<i32>} : memref<200x128xf32, #tpu.memory_space<vmem>>, vector<1x16xf32>,
        %swap3A_261 = vector.shape_cast %swap3A_260 : vector<1x16xf32> to vector<16xf32>
        %swap3A_262 = vector.shape_cast %add3A_257 : vector<16xf32> to vector<1x16xf32>
        tpu.vector_store %arg9[%swap3A_258, %swap3A_259], %swap3A_262 {strides = array<i32>} : memref<200x128xf32, #tpu.memory_space<vmem>>, vector<1x16xf32>,
        %add3A_263 = arith.constant 0 : i32
        %add3A_264 = arith.addi %mul3A_232, %add3A_263 : i32
        %get3A_265 = arith.index_cast %add3A_264 : i32 to index
        %get3A_266 = arith.constant 32 : index
        %get3A_267 = tpu.vector_load %arg7[%get3A_265, %get3A_266] {strides = array<i32>} : memref<400x64xf32, #tpu.memory_space<vmem>>, vector<1x16xf32>,
        %get3A_268 = vector.shape_cast %get3A_267 : vector<1x16xf32> to vector<16xf32>
        %get3A_269 = arith.index_cast %add3A_230 : i32 to index
        %get3A_270 = arith.constant 32 : index
        %get3A_271 = tpu.vector_load %arg11[%get3A_269, %get3A_270] {strides = array<i32>} : memref<200x128xf32, #tpu.memory_space<vmem>>, vector<1x16xf32>,
        %get3A_272 = vector.shape_cast %get3A_271 : vector<1x16xf32> to vector<16xf32>
        %add3A_273 = arith.addf %get3A_268, %get3A_272 : vector<16xf32>
        %swap3A_274 = arith.index_cast %add3A_230 : i32 to index
        %swap3A_275 = arith.constant 32 : index
        %swap3A_276 = tpu.vector_load %arg9[%swap3A_274, %swap3A_275] {strides = array<i32>} : memref<200x128xf32, #tpu.memory_space<vmem>>, vector<1x16xf32>,
        %swap3A_277 = vector.shape_cast %swap3A_276 : vector<1x16xf32> to vector<16xf32>
        %swap3A_278 = vector.shape_cast %add3A_273 : vector<16xf32> to vector<1x16xf32>
        tpu.vector_store %arg9[%swap3A_274, %swap3A_275], %swap3A_278 {strides = array<i32>} : memref<200x128xf32, #tpu.memory_space<vmem>>, vector<1x16xf32>,
        %add3A_279 = arith.constant 0 : i32
        %add3A_280 = arith.addi %mul3A_232, %add3A_279 : i32
        %get3A_281 = arith.index_cast %add3A_280 : i32 to index
        %get3A_282 = arith.constant 48 : index
        %get3A_283 = tpu.vector_load %arg7[%get3A_281, %get3A_282] {strides = array<i32>} : memref<400x64xf32, #tpu.memory_space<vmem>>, vector<1x16xf32>,
        %get3A_284 = vector.shape_cast %get3A_283 : vector<1x16xf32> to vector<16xf32>
        %get3A_285 = arith.index_cast %add3A_230 : i32 to index
        %get3A_286 = arith.constant 48 : index
        %get3A_287 = tpu.vector_load %arg11[%get3A_285, %get3A_286] {strides = array<i32>} : memref<200x128xf32, #tpu.memory_space<vmem>>, vector<1x16xf32>,
        %get3A_288 = vector.shape_cast %get3A_287 : vector<1x16xf32> to vector<16xf32>
        %add3A_289 = arith.addf %get3A_284, %get3A_288 : vector<16xf32>
        %swap3A_290 = arith.index_cast %add3A_230 : i32 to index
        %swap3A_291 = arith.constant 48 : index
        %swap3A_292 = tpu.vector_load %arg9[%swap3A_290, %swap3A_291] {strides = array<i32>} : memref<200x128xf32, #tpu.memory_space<vmem>>, vector<1x16xf32>,
        %swap3A_293 = vector.shape_cast %swap3A_292 : vector<1x16xf32> to vector<16xf32>
        %swap3A_294 = vector.shape_cast %add3A_289 : vector<16xf32> to vector<1x16xf32>
        tpu.vector_store %arg9[%swap3A_290, %swap3A_291], %swap3A_294 {strides = array<i32>} : memref<200x128xf32, #tpu.memory_space<vmem>>, vector<1x16xf32>,
        %add3A_295 = arith.constant 1 : i32
        %add3A_296 = arith.addi %mul3A_232, %add3A_295 : i32
        %get3A_297 = arith.index_cast %add3A_296 : i32 to index
        %get3A_298 = arith.constant 0 : index
        %get3A_299 = tpu.vector_load %arg7[%get3A_297, %get3A_298] {strides = array<i32>} : memref<400x64xf32, #tpu.memory_space<vmem>>, vector<1x16xf32>,
        %get3A_300 = vector.shape_cast %get3A_299 : vector<1x16xf32> to vector<16xf32>
        %get3A_301 = arith.index_cast %add3A_230 : i32 to index
        %get3A_302 = arith.constant 64 : index
        %get3A_303 = tpu.vector_load %arg11[%get3A_301, %get3A_302] {strides = array<i32>} : memref<200x128xf32, #tpu.memory_space<vmem>>, vector<1x16xf32>,
        %get3A_304 = vector.shape_cast %get3A_303 : vector<1x16xf32> to vector<16xf32>
        %add3A_305 = arith.addf %get3A_300, %get3A_304 : vector<16xf32>
        %swap3A_306 = arith.index_cast %add3A_230 : i32 to index
        %swap3A_307 = arith.constant 64 : index
        %swap3A_308 = tpu.vector_load %arg9[%swap3A_306, %swap3A_307] {strides = array<i32>} : memref<200x128xf32, #tpu.memory_space<vmem>>, vector<1x16xf32>,
        %swap3A_309 = vector.shape_cast %swap3A_308 : vector<1x16xf32> to vector<16xf32>
        %swap3A_310 = vector.shape_cast %add3A_305 : vector<16xf32> to vector<1x16xf32>
        tpu.vector_store %arg9[%swap3A_306, %swap3A_307], %swap3A_310 {strides = array<i32>} : memref<200x128xf32, #tpu.memory_space<vmem>>, vector<1x16xf32>,
        %add3A_311 = arith.constant 1 : i32
        %add3A_312 = arith.addi %mul3A_232, %add3A_311 : i32
        %get3A_313 = arith.index_cast %add3A_312 : i32 to index
        %get3A_314 = arith.constant 16 : index
        %get3A_315 = tpu.vector_load %arg7[%get3A_313, %get3A_314] {strides = array<i32>} : memref<400x64xf32, #tpu.memory_space<vmem>>, vector<1x16xf32>,
        %get3A_316 = vector.shape_cast %get3A_315 : vector<1x16xf32> to vector<16xf32>
        %get3A_317 = arith.index_cast %add3A_230 : i32 to index
        %get3A_318 = arith.constant 80 : index
        %get3A_319 = tpu.vector_load %arg11[%get3A_317, %get3A_318] {strides = array<i32>} : memref<200x128xf32, #tpu.memory_space<vmem>>, vector<1x16xf32>,
        %get3A_320 = vector.shape_cast %get3A_319 : vector<1x16xf32> to vector<16xf32>
        %add3A_321 = arith.addf %get3A_316, %get3A_320 : vector<16xf32>
        %swap3A_322 = arith.index_cast %add3A_230 : i32 to index
        %swap3A_323 = arith.constant 80 : index
        %swap3A_324 = tpu.vector_load %arg9[%swap3A_322, %swap3A_323] {strides = array<i32>} : memref<200x128xf32, #tpu.memory_space<vmem>>, vector<1x16xf32>,
        %swap3A_325 = vector.shape_cast %swap3A_324 : vector<1x16xf32> to vector<16xf32>
        %swap3A_326 = vector.shape_cast %add3A_321 : vector<16xf32> to vector<1x16xf32>
        tpu.vector_store %arg9[%swap3A_322, %swap3A_323], %swap3A_326 {strides = array<i32>} : memref<200x128xf32, #tpu.memory_space<vmem>>, vector<1x16xf32>,
        %add3A_327 = arith.constant 1 : i32
        %add3A_328 = arith.addi %mul3A_232, %add3A_327 : i32
        %get3A_329 = arith.index_cast %add3A_328 : i32 to index
        %get3A_330 = arith.constant 32 : index
        %get3A_331 = tpu.vector_load %arg7[%get3A_329, %get3A_330] {strides = array<i32>} : memref<400x64xf32, #tpu.memory_space<vmem>>, vector<1x16xf32>,
        %get3A_332 = vector.shape_cast %get3A_331 : vector<1x16xf32> to vector<16xf32>
        %get3A_333 = arith.index_cast %add3A_230 : i32 to index
        %get3A_334 = arith.constant 96 : index
        %get3A_335 = tpu.vector_load %arg11[%get3A_333, %get3A_334] {strides = array<i32>} : memref<200x128xf32, #tpu.memory_space<vmem>>, vector<1x16xf32>,
        %get3A_336 = vector.shape_cast %get3A_335 : vector<1x16xf32> to vector<16xf32>
        %add3A_337 = arith.addf %get3A_332, %get3A_336 : vector<16xf32>
        %swap3A_338 = arith.index_cast %add3A_230 : i32 to index
        %swap3A_339 = arith.constant 96 : index
        %swap3A_340 = tpu.vector_load %arg9[%swap3A_338, %swap3A_339] {strides = array<i32>} : memref<200x128xf32, #tpu.memory_space<vmem>>, vector<1x16xf32>,
        %swap3A_341 = vector.shape_cast %swap3A_340 : vector<1x16xf32> to vector<16xf32>
        %swap3A_342 = vector.shape_cast %add3A_337 : vector<16xf32> to vector<1x16xf32>
        tpu.vector_store %arg9[%swap3A_338, %swap3A_339], %swap3A_342 {strides = array<i32>} : memref<200x128xf32, #tpu.memory_space<vmem>>, vector<1x16xf32>,
        %add3A_343 = arith.constant 1 : i32
        %add3A_344 = arith.addi %mul3A_232, %add3A_343 : i32
        %get3A_345 = arith.index_cast %add3A_344 : i32 to index
        %get3A_346 = arith.constant 48 : index
        %get3A_347 = tpu.vector_load %arg7[%get3A_345, %get3A_346] {strides = array<i32>} : memref<400x64xf32, #tpu.memory_space<vmem>>, vector<1x16xf32>,
        %get3A_348 = vector.shape_cast %get3A_347 : vector<1x16xf32> to vector<16xf32>
        %get3A_349 = arith.index_cast %add3A_230 : i32 to index
        %get3A_350 = arith.constant 112 : index
        %get3A_351 = tpu.vector_load %arg11[%get3A_349, %get3A_350] {strides = array<i32>} : memref<200x128xf32, #tpu.memory_space<vmem>>, vector<1x16xf32>,
        %get3A_352 = vector.shape_cast %get3A_351 : vector<1x16xf32> to vector<16xf32>
        %add3A_353 = arith.addf %get3A_348, %get3A_352 : vector<16xf32>
        %swap3A_354 = arith.index_cast %add3A_230 : i32 to index
        %swap3A_355 = arith.constant 112 : index
        %swap3A_356 = tpu.vector_load %arg9[%swap3A_354, %swap3A_355] {strides = array<i32>} : memref<200x128xf32, #tpu.memory_space<vmem>>, vector<1x16xf32>,
        %swap3A_357 = vector.shape_cast %swap3A_356 : vector<1x16xf32> to vector<16xf32>
        %swap3A_358 = vector.shape_cast %add3A_353 : vector<16xf32> to vector<1x16xf32>
        tpu.vector_store %arg9[%swap3A_354, %swap3A_355], %swap3A_358 {strides = array<i32>} : memref<200x128xf32, #tpu.memory_space<vmem>>, vector<1x16xf32>,
      }
      %scan3A_130 = arith.constant 200 : i32
      %mul3A_131 = arith.constant 400 : i32
      %mul3A_132 = arith.muli %add3A_103, %mul3A_131 : i32
      %add3A_133 = arith.addi %mul3A_2, %mul3A_132 : i32
      %jit3A_134 = arith.constant 2 : i32
      %div3A_135 = arith.divsi %add3A_133, %jit3A_134 : i32
      %sign3A_136 = arith.constant 0 : i32
      %sign3A_137 = arith.cmpi sgt, %add3A_133, %sign3A_136 : i32
      %sign3A_138 = arith.extui %sign3A_137 : i1 to i32
      %sign3A_139 = arith.constant 0 : i32
      %sign3A_140 = arith.cmpi slt, %add3A_133, %sign3A_139 : i32
      %sign3A_141 = arith.extui %sign3A_140 : i1 to i32
      %sign3A_142 = arith.subi %sign3A_138, %sign3A_141 : i32
      %sign3A_143 = arith.constant 0 : i32
      %sign3A_144 = arith.cmpi sgt, %jit3A_134, %sign3A_143 : i32
      %sign3A_145 = arith.extui %sign3A_144 : i1 to i32
      %sign3A_146 = arith.constant 0 : i32
      %sign3A_147 = arith.cmpi slt, %jit3A_134, %sign3A_146 : i32
      %sign3A_148 = arith.extui %sign3A_147 : i1 to i32
      %sign3A_149 = arith.subi %sign3A_145, %sign3A_148 : i32
      %ne3A_150 = arith.cmpi ne, %sign3A_142, %sign3A_149 : i32
      %rem3A_151 = arith.remsi %add3A_133, %jit3A_134 : i32
      %ne3A_152 = arith.constant 0 : i32
      %ne3A_153 = arith.cmpi ne, %rem3A_151, %ne3A_152 : i32
      %and3A_154 = arith.andi %ne3A_150, %ne3A_153 : i1
      %sub3A_155 = arith.constant 1 : i32
      %sub3A_156 = arith.subi %div3A_135, %sub3A_155 : i32
      %select_n3A_157 = arith.select %and3A_154, %sub3A_156, %div3A_135 : i32
      %dma_start3A_158 = arith.constant 0 : i32
      %dma_start3A_159 = tpu.memref_slice %arg5[%select_n3A_157, %dma_start3A_158] : memref<409600x128xf32, #tpu.memory_space<hbm>> -> memref<200x128xf32, #tpu.memory_space<hbm>>
      %dma_start3A_160 = arith.constant 0 : i32
      %dma_start3A_161 = tpu.memref_slice %arg5[%select_n3A_157, %dma_start3A_160] : memref<409600x128xf32, #tpu.memory_space<hbm>> -> memref<200x128xf32, #tpu.memory_space<hbm>>
      tpu.enqueue_dma source(%arg9 : memref<200x128xf32, #tpu.memory_space<vmem>>) target(%dma_start3A_161 : memref<200x128xf32, #tpu.memory_space<hbm>>) target_semaphore(%arg16 : memref<!tpu.dma_semaphore, #tpu.memory_space<semaphore_mem>>)
      %add3A_162 = arith.constant 1 : i32
      %add3A_163 = arith.addi %add3A_101, %add3A_162 : i32
      %add3A_164 = arith.constant 1 : i32
      %add3A_165 = arith.addi %add3A_163, %add3A_164 : i32
      %lt3A_166 = arith.constant 64 : i32
      %lt3A_167 = arith.cmpi slt, %add3A_165, %lt3A_166 : i32
      %convert_element_type3A_168 = arith.extui %lt3A_167 : i1 to i32
      %cond3A_169 = arith.constant 0 : i32
      %cond3A_170 = arith.cmpi ne, %convert_element_type3A_168, %cond3A_169 : i32
      scf.if %cond3A_170 {
        %add3A_226 = arith.constant 1 : i32
        %add3A_227 = arith.addi %add3A_163, %add3A_226 : i32
        %mul3A_228 = arith.constant 400 : i32
        %mul3A_229 = arith.muli %add3A_227, %mul3A_228 : i32
        %add3A_230 = arith.addi %mul3A_2, %mul3A_229 : i32
        %dma_wait3A_231 = arith.constant 0 : i32
        %dma_wait3A_232 = arith.constant 0 : i32
        %dma_wait3A_233 = tpu.memref_slice %arg6[%dma_wait3A_231, %dma_wait3A_232] : memref<2x400xi32, #tpu.memory_space<vmem>> -> memref<1x400xi32, #tpu.memory_space<vmem>>
        %dma_wait3A_234 = tpu.memref_squeeze %dma_wait3A_233 : memref<1x400xi32, #tpu.memory_space<vmem>> -> memref<400xi32, #tpu.memory_space<vmem>>
        %dma_wait3A_235 = tpu.memref_slice %arg2[%add3A_230] : memref<819200xi32, #tpu.memory_space<hbm>> -> memref<400xi32, #tpu.memory_space<hbm>>
        %dma_wait3A_236 = arith.constant 0 : i32
        %dma_wait3A_237 = tpu.memref_slice %arg6[%dma_wait3A_231, %dma_wait3A_236] : memref<2x400xi32, #tpu.memory_space<vmem>> -> memref<1x400xi32, #tpu.memory_space<vmem>>
        %dma_wait3A_238 = tpu.memref_squeeze %dma_wait3A_237 : memref<1x400xi32, #tpu.memory_space<vmem>> -> memref<400xi32, #tpu.memory_space<vmem>>
        %dma_wait3A_239 = tpu.memref_slice %arg2[%add3A_230] : memref<819200xi32, #tpu.memory_space<hbm>> -> memref<400xi32, #tpu.memory_space<hbm>>
        tpu.wait_dma2 semaphore(%arg12 : memref<!tpu.dma_semaphore, #tpu.memory_space<semaphore_mem>>) src(%dma_wait3A_239 : memref<400xi32, #tpu.memory_space<hbm>>) dst(%dma_wait3A_238 : memref<400xi32, #tpu.memory_space<vmem>>)
        %add3A_240 = arith.constant 1 : i32
        %add3A_241 = arith.addi %add3A_163, %add3A_240 : i32
        %dma_start3A_242 = arith.constant 0 : i32
        %dma_start3A_243 = arith.constant 0 : i32
        %dma_start3A_244 = tpu.memref_slice %arg6[%dma_start3A_242, %dma_start3A_243] : memref<2x400xi32, #tpu.memory_space<vmem>> -> memref<1x400xi32, #tpu.memory_space<vmem>>
        %dma_start3A_245 = tpu.memref_squeeze %dma_start3A_244 : memref<1x400xi32, #tpu.memory_space<vmem>> -> memref<400xi32, #tpu.memory_space<vmem>>
        %dma_start3A_246 = arith.constant 0 : i32
        %dma_start3A_247 = arith.constant 0 : i32
        %dma_start3A_248 = tpu.memref_slice %arg3[%dma_start3A_246, %dma_start3A_247] : memref<1000000x64xf32, #tpu.memory_space<hbm>> -> memref<1000000x64xf32, #tpu.memory_space<hbm>>
        tpu.enqueue_indirect_dma source(%dma_start3A_248 : memref<1000000x64xf32, #tpu.memory_space<hbm>>) target(%arg7 : memref<400x64xf32, #tpu.memory_space<vmem>>) offsets(%dma_start3A_245 : memref<400xi32, #tpu.memory_space<vmem>>) semaphore(%arg14 : memref<!tpu.dma_semaphore, #tpu.memory_space<semaphore_mem>>)
      } else {
      }
      %dma_wait3A_171 = arith.constant 1 : i32
      %dma_wait3A_172 = arith.constant 0 : i32
      %dma_wait3A_173 = tpu.memref_slice %arg6[%dma_wait3A_171, %dma_wait3A_172] : memref<2x400xi32, #tpu.memory_space<vmem>> -> memref<1x400xi32, #tpu.memory_space<vmem>>
      %dma_wait3A_174 = tpu.memref_squeeze %dma_wait3A_173 : memref<1x400xi32, #tpu.memory_space<vmem>> -> memref<400xi32, #tpu.memory_space<vmem>>
      %dma_wait3A_175 = arith.constant 0 : i32
      %dma_wait3A_176 = arith.constant 0 : i32
      %dma_wait3A_177 = tpu.memref_slice %arg3[%dma_wait3A_175, %dma_wait3A_176] : memref<1000000x64xf32, #tpu.memory_space<hbm>> -> memref<1000000x64xf32, #tpu.memory_space<hbm>>
      tpu.wait_indirect_dma semaphore(%arg15 : memref<!tpu.dma_semaphore, #tpu.memory_space<semaphore_mem>>) src(%dma_wait3A_177 : memref<1000000x64xf32, #tpu.memory_space<hbm>>) dst(%arg8 : memref<400x64xf32, #tpu.memory_space<vmem>>)
      %add3A_178 = arith.constant 2 : i32
      %add3A_179 = arith.addi %add3A_163, %add3A_178 : i32
      %lt3A_180 = arith.constant 64 : i32
      %lt3A_181 = arith.cmpi slt, %add3A_179, %lt3A_180 : i32
      %convert_element_type3A_182 = arith.extui %lt3A_181 : i1 to i32
      %cond3A_183 = arith.constant 0 : i32
      %cond3A_184 = arith.cmpi ne, %convert_element_type3A_182, %cond3A_183 : i32
      scf.if %cond3A_184 {
        %add3A_226 = arith.constant 2 : i32
        %add3A_227 = arith.addi %add3A_163, %add3A_226 : i32
        %mul3A_228 = arith.constant 400 : i32
        %mul3A_229 = arith.muli %add3A_227, %mul3A_228 : i32
        %add3A_230 = arith.addi %mul3A_2, %mul3A_229 : i32
        %dma_start3A_231 = arith.constant 1 : i32
        %dma_start3A_232 = arith.constant 0 : i32
        %dma_start3A_233 = tpu.memref_slice %arg6[%dma_start3A_231, %dma_start3A_232] : memref<2x400xi32, #tpu.memory_space<vmem>> -> memref<1x400xi32, #tpu.memory_space<vmem>>
        %dma_start3A_234 = tpu.memref_squeeze %dma_start3A_233 : memref<1x400xi32, #tpu.memory_space<vmem>> -> memref<400xi32, #tpu.memory_space<vmem>>
        %dma_start3A_235 = tpu.memref_slice %arg2[%add3A_230] : memref<819200xi32, #tpu.memory_space<hbm>> -> memref<400xi32, #tpu.memory_space<hbm>>
        %dma_start3A_236 = arith.constant 0 : i32
        %dma_start3A_237 = tpu.memref_slice %arg6[%dma_start3A_231, %dma_start3A_236] : memref<2x400xi32, #tpu.memory_space<vmem>> -> memref<1x400xi32, #tpu.memory_space<vmem>>
        %dma_start3A_238 = tpu.memref_squeeze %dma_start3A_237 : memref<1x400xi32, #tpu.memory_space<vmem>> -> memref<400xi32, #tpu.memory_space<vmem>>
        %dma_start3A_239 = tpu.memref_slice %arg2[%add3A_230] : memref<819200xi32, #tpu.memory_space<hbm>> -> memref<400xi32, #tpu.memory_space<hbm>>
        tpu.enqueue_dma source(%dma_start3A_239 : memref<400xi32, #tpu.memory_space<hbm>>) target(%dma_start3A_238 : memref<400xi32, #tpu.memory_space<vmem>>) target_semaphore(%arg13 : memref<!tpu.dma_semaphore, #tpu.memory_space<semaphore_mem>>)
      } else {
      }
      %ge3A_185 = arith.constant 2 : i32
      %ge3A_186 = arith.cmpi sge, %add3A_163, %ge3A_185 : i32
      %convert_element_type3A_187 = arith.extui %ge3A_186 : i1 to i32
      %cond3A_188 = arith.constant 0 : i32
      %cond3A_189 = arith.cmpi ne, %convert_element_type3A_187, %cond3A_188 : i32
      scf.if %cond3A_189 {
        %sub3A_226 = arith.constant 2 : i32
        %sub3A_227 = arith.subi %add3A_163, %sub3A_226 : i32
        %mul3A_228 = arith.constant 400 : i32
        %mul3A_229 = arith.muli %sub3A_227, %mul3A_228 : i32
        %add3A_230 = arith.addi %mul3A_2, %mul3A_229 : i32
        %jit3A_231 = arith.constant 2 : i32
        %div3A_232 = arith.divsi %add3A_230, %jit3A_231 : i32
        %sign3A_233 = arith.constant 0 : i32
        %sign3A_234 = arith.cmpi sgt, %add3A_230, %sign3A_233 : i32
        %sign3A_235 = arith.extui %sign3A_234 : i1 to i32
        %sign3A_236 = arith.constant 0 : i32
        %sign3A_237 = arith.cmpi slt, %add3A_230, %sign3A_236 : i32
        %sign3A_238 = arith.extui %sign3A_237 : i1 to i32
        %sign3A_239 = arith.subi %sign3A_235, %sign3A_238 : i32
        %sign3A_240 = arith.constant 0 : i32
        %sign3A_241 = arith.cmpi sgt, %jit3A_231, %sign3A_240 : i32
        %sign3A_242 = arith.extui %sign3A_241 : i1 to i32
        %sign3A_243 = arith.constant 0 : i32
        %sign3A_244 = arith.cmpi slt, %jit3A_231, %sign3A_243 : i32
        %sign3A_245 = arith.extui %sign3A_244 : i1 to i32
        %sign3A_246 = arith.subi %sign3A_242, %sign3A_245 : i32
        %ne3A_247 = arith.cmpi ne, %sign3A_239, %sign3A_246 : i32
        %rem3A_248 = arith.remsi %add3A_230, %jit3A_231 : i32
        %ne3A_249 = arith.constant 0 : i32
        %ne3A_250 = arith.cmpi ne, %rem3A_248, %ne3A_249 : i32
        %and3A_251 = arith.andi %ne3A_247, %ne3A_250 : i1
        %sub3A_252 = arith.constant 1 : i32
        %sub3A_253 = arith.subi %div3A_232, %sub3A_252 : i32
        %select_n3A_254 = arith.select %and3A_251, %sub3A_253, %div3A_232 : i32
        %dma_wait3A_255 = arith.constant 0 : i32
        %dma_wait3A_256 = tpu.memref_slice %arg5[%select_n3A_254, %dma_wait3A_255] : memref<409600x128xf32, #tpu.memory_space<hbm>> -> memref<200x128xf32, #tpu.memory_space<hbm>>
        %dma_wait3A_257 = arith.constant 0 : i32
        %dma_wait3A_258 = tpu.memref_slice %arg5[%select_n3A_254, %dma_wait3A_257] : memref<409600x128xf32, #tpu.memory_space<hbm>> -> memref<200x128xf32, #tpu.memory_space<hbm>>
        tpu.wait_dma2 semaphore(%arg17 : memref<!tpu.dma_semaphore, #tpu.memory_space<semaphore_mem>>) src(%arg10 : memref<200x128xf32, #tpu.memory_space<vmem>>) dst(%dma_wait3A_258 : memref<200x128xf32, #tpu.memory_space<hbm>>)
      } else {
      }
      %scan3A_190 = arith.constant 0 : i32
      %scan3A_191 = arith.constant 200 : i32
      %scan3A_192 = arith.addi %scan3A_190, %scan3A_191 : i32
      %scan3A_193 = arith.constant 1 : i32
      scf.for %scan3A_226 = %scan3A_190 to %scan3A_192 step %scan3A_193  : i32 {
        %mul3A_227 = arith.constant 1 : i32
        %mul3A_228 = arith.muli %scan3A_226, %mul3A_227 : i32
        %add3A_229 = arith.constant 0 : i32
        %add3A_230 = arith.addi %add3A_229, %mul3A_228 : i32
        %mul3A_231 = arith.constant 2 : i32
        %mul3A_232 = arith.muli %mul3A_231, %add3A_230 : i32
        %add3A_233 = arith.constant 0 : i32
        %add3A_234 = arith.addi %mul3A_232, %add3A_233 : i32
        %get3A = arith.index_cast %add3A_234 : i32 to index
        %get3A_235 = arith.constant 0 : index
        %get3A_236 = tpu.vector_load %arg8[%get3A, %get3A_235] {strides = array<i32>} : memref<400x64xf32, #tpu.memory_space<vmem>>, vector<1x16xf32>,
        %get3A_237 = vector.shape_cast %get3A_236 : vector<1x16xf32> to vector<16xf32>
        %get3A_238 = arith.index_cast %add3A_230 : i32 to index
        %get3A_239 = arith.constant 0 : index
        %get3A_240 = tpu.vector_load %arg11[%get3A_238, %get3A_239] {strides = array<i32>} : memref<200x128xf32, #tpu.memory_space<vmem>>, vector<1x16xf32>,
        %get3A_241 = vector.shape_cast %get3A_240 : vector<1x16xf32> to vector<16xf32>
        %add3A_242 = arith.addf %get3A_237, %get3A_241 : vector<16xf32>
        %swap3A = arith.index_cast %add3A_230 : i32 to index
        %swap3A_243 = arith.constant 0 : index
        %swap3A_244 = tpu.vector_load %arg10[%swap3A, %swap3A_243] {strides = array<i32>} : memref<200x128xf32, #tpu.memory_space<vmem>>, vector<1x16xf32>,
        %swap3A_245 = vector.shape_cast %swap3A_244 : vector<1x16xf32> to vector<16xf32>
        %swap3A_246 = vector.shape_cast %add3A_242 : vector<16xf32> to vector<1x16xf32>
        tpu.vector_store %arg10[%swap3A, %swap3A_243], %swap3A_246 {strides = array<i32>} : memref<200x128xf32, #tpu.memory_space<vmem>>, vector<1x16xf32>,
        %add3A_247 = arith.constant 0 : i32
        %add3A_248 = arith.addi %mul3A_232, %add3A_247 : i32
        %get3A_249 = arith.index_cast %add3A_248 : i32 to index
        %get3A_250 = arith.constant 16 : index
        %get3A_251 = tpu.vector_load %arg8[%get3A_249, %get3A_250] {strides = array<i32>} : memref<400x64xf32, #tpu.memory_space<vmem>>, vector<1x16xf32>,
        %get3A_252 = vector.shape_cast %get3A_251 : vector<1x16xf32> to vector<16xf32>
        %get3A_253 = arith.index_cast %add3A_230 : i32 to index
        %get3A_254 = arith.constant 16 : index
        %get3A_255 = tpu.vector_load %arg11[%get3A_253, %get3A_254] {strides = array<i32>} : memref<200x128xf32, #tpu.memory_space<vmem>>, vector<1x16xf32>,
        %get3A_256 = vector.shape_cast %get3A_255 : vector<1x16xf32> to vector<16xf32>
        %add3A_257 = arith.addf %get3A_252, %get3A_256 : vector<16xf32>
        %swap3A_258 = arith.index_cast %add3A_230 : i32 to index
        %swap3A_259 = arith.constant 16 : index
        %swap3A_260 = tpu.vector_load %arg10[%swap3A_258, %swap3A_259] {strides = array<i32>} : memref<200x128xf32, #tpu.memory_space<vmem>>, vector<1x16xf32>,
        %swap3A_261 = vector.shape_cast %swap3A_260 : vector<1x16xf32> to vector<16xf32>
        %swap3A_262 = vector.shape_cast %add3A_257 : vector<16xf32> to vector<1x16xf32>
        tpu.vector_store %arg10[%swap3A_258, %swap3A_259], %swap3A_262 {strides = array<i32>} : memref<200x128xf32, #tpu.memory_space<vmem>>, vector<1x16xf32>,
        %add3A_263 = arith.constant 0 : i32
        %add3A_264 = arith.addi %mul3A_232, %add3A_263 : i32
        %get3A_265 = arith.index_cast %add3A_264 : i32 to index
        %get3A_266 = arith.constant 32 : index
        %get3A_267 = tpu.vector_load %arg8[%get3A_265, %get3A_266] {strides = array<i32>} : memref<400x64xf32, #tpu.memory_space<vmem>>, vector<1x16xf32>,
        %get3A_268 = vector.shape_cast %get3A_267 : vector<1x16xf32> to vector<16xf32>
        %get3A_269 = arith.index_cast %add3A_230 : i32 to index
        %get3A_270 = arith.constant 32 : index
        %get3A_271 = tpu.vector_load %arg11[%get3A_269, %get3A_270] {strides = array<i32>} : memref<200x128xf32, #tpu.memory_space<vmem>>, vector<1x16xf32>,
        %get3A_272 = vector.shape_cast %get3A_271 : vector<1x16xf32> to vector<16xf32>
        %add3A_273 = arith.addf %get3A_268, %get3A_272 : vector<16xf32>
        %swap3A_274 = arith.index_cast %add3A_230 : i32 to index
        %swap3A_275 = arith.constant 32 : index
        %swap3A_276 = tpu.vector_load %arg10[%swap3A_274, %swap3A_275] {strides = array<i32>} : memref<200x128xf32, #tpu.memory_space<vmem>>, vector<1x16xf32>,
        %swap3A_277 = vector.shape_cast %swap3A_276 : vector<1x16xf32> to vector<16xf32>
        %swap3A_278 = vector.shape_cast %add3A_273 : vector<16xf32> to vector<1x16xf32>
        tpu.vector_store %arg10[%swap3A_274, %swap3A_275], %swap3A_278 {strides = array<i32>} : memref<200x128xf32, #tpu.memory_space<vmem>>, vector<1x16xf32>,
        %add3A_279 = arith.constant 0 : i32
        %add3A_280 = arith.addi %mul3A_232, %add3A_279 : i32
        %get3A_281 = arith.index_cast %add3A_280 : i32 to index
        %get3A_282 = arith.constant 48 : index
        %get3A_283 = tpu.vector_load %arg8[%get3A_281, %get3A_282] {strides = array<i32>} : memref<400x64xf32, #tpu.memory_space<vmem>>, vector<1x16xf32>,
        %get3A_284 = vector.shape_cast %get3A_283 : vector<1x16xf32> to vector<16xf32>
        %get3A_285 = arith.index_cast %add3A_230 : i32 to index
        %get3A_286 = arith.constant 48 : index
        %get3A_287 = tpu.vector_load %arg11[%get3A_285, %get3A_286] {strides = array<i32>} : memref<200x128xf32, #tpu.memory_space<vmem>>, vector<1x16xf32>,
        %get3A_288 = vector.shape_cast %get3A_287 : vector<1x16xf32> to vector<16xf32>
        %add3A_289 = arith.addf %get3A_284, %get3A_288 : vector<16xf32>
        %swap3A_290 = arith.index_cast %add3A_230 : i32 to index
        %swap3A_291 = arith.constant 48 : index
        %swap3A_292 = tpu.vector_load %arg10[%swap3A_290, %swap3A_291] {strides = array<i32>} : memref<200x128xf32, #tpu.memory_space<vmem>>, vector<1x16xf32>,
        %swap3A_293 = vector.shape_cast %swap3A_292 : vector<1x16xf32> to vector<16xf32>
        %swap3A_294 = vector.shape_cast %add3A_289 : vector<16xf32> to vector<1x16xf32>
        tpu.vector_store %arg10[%swap3A_290, %swap3A_291], %swap3A_294 {strides = array<i32>} : memref<200x128xf32, #tpu.memory_space<vmem>>, vector<1x16xf32>,
        %add3A_295 = arith.constant 1 : i32
        %add3A_296 = arith.addi %mul3A_232, %add3A_295 : i32
        %get3A_297 = arith.index_cast %add3A_296 : i32 to index
        %get3A_298 = arith.constant 0 : index
        %get3A_299 = tpu.vector_load %arg8[%get3A_297, %get3A_298] {strides = array<i32>} : memref<400x64xf32, #tpu.memory_space<vmem>>, vector<1x16xf32>,
        %get3A_300 = vector.shape_cast %get3A_299 : vector<1x16xf32> to vector<16xf32>
        %get3A_301 = arith.index_cast %add3A_230 : i32 to index
        %get3A_302 = arith.constant 64 : index
        %get3A_303 = tpu.vector_load %arg11[%get3A_301, %get3A_302] {strides = array<i32>} : memref<200x128xf32, #tpu.memory_space<vmem>>, vector<1x16xf32>,
        %get3A_304 = vector.shape_cast %get3A_303 : vector<1x16xf32> to vector<16xf32>
        %add3A_305 = arith.addf %get3A_300, %get3A_304 : vector<16xf32>
        %swap3A_306 = arith.index_cast %add3A_230 : i32 to index
        %swap3A_307 = arith.constant 64 : index
        %swap3A_308 = tpu.vector_load %arg10[%swap3A_306, %swap3A_307] {strides = array<i32>} : memref<200x128xf32, #tpu.memory_space<vmem>>, vector<1x16xf32>,
        %swap3A_309 = vector.shape_cast %swap3A_308 : vector<1x16xf32> to vector<16xf32>
        %swap3A_310 = vector.shape_cast %add3A_305 : vector<16xf32> to vector<1x16xf32>
        tpu.vector_store %arg10[%swap3A_306, %swap3A_307], %swap3A_310 {strides = array<i32>} : memref<200x128xf32, #tpu.memory_space<vmem>>, vector<1x16xf32>,
        %add3A_311 = arith.constant 1 : i32
        %add3A_312 = arith.addi %mul3A_232, %add3A_311 : i32
        %get3A_313 = arith.index_cast %add3A_312 : i32 to index
        %get3A_314 = arith.constant 16 : index
        %get3A_315 = tpu.vector_load %arg8[%get3A_313, %get3A_314] {strides = array<i32>} : memref<400x64xf32, #tpu.memory_space<vmem>>, vector<1x16xf32>,
        %get3A_316 = vector.shape_cast %get3A_315 : vector<1x16xf32> to vector<16xf32>
        %get3A_317 = arith.index_cast %add3A_230 : i32 to index
        %get3A_318 = arith.constant 80 : index
        %get3A_319 = tpu.vector_load %arg11[%get3A_317, %get3A_318] {strides = array<i32>} : memref<200x128xf32, #tpu.memory_space<vmem>>, vector<1x16xf32>,
        %get3A_320 = vector.shape_cast %get3A_319 : vector<1x16xf32> to vector<16xf32>
        %add3A_321 = arith.addf %get3A_316, %get3A_320 : vector<16xf32>
        %swap3A_322 = arith.index_cast %add3A_230 : i32 to index
        %swap3A_323 = arith.constant 80 : index
        %swap3A_324 = tpu.vector_load %arg10[%swap3A_322, %swap3A_323] {strides = array<i32>} : memref<200x128xf32, #tpu.memory_space<vmem>>, vector<1x16xf32>,
        %swap3A_325 = vector.shape_cast %swap3A_324 : vector<1x16xf32> to vector<16xf32>
        %swap3A_326 = vector.shape_cast %add3A_321 : vector<16xf32> to vector<1x16xf32>
        tpu.vector_store %arg10[%swap3A_322, %swap3A_323], %swap3A_326 {strides = array<i32>} : memref<200x128xf32, #tpu.memory_space<vmem>>, vector<1x16xf32>,
        %add3A_327 = arith.constant 1 : i32
        %add3A_328 = arith.addi %mul3A_232, %add3A_327 : i32
        %get3A_329 = arith.index_cast %add3A_328 : i32 to index
        %get3A_330 = arith.constant 32 : index
        %get3A_331 = tpu.vector_load %arg8[%get3A_329, %get3A_330] {strides = array<i32>} : memref<400x64xf32, #tpu.memory_space<vmem>>, vector<1x16xf32>,
        %get3A_332 = vector.shape_cast %get3A_331 : vector<1x16xf32> to vector<16xf32>
        %get3A_333 = arith.index_cast %add3A_230 : i32 to index
        %get3A_334 = arith.constant 96 : index
        %get3A_335 = tpu.vector_load %arg11[%get3A_333, %get3A_334] {strides = array<i32>} : memref<200x128xf32, #tpu.memory_space<vmem>>, vector<1x16xf32>,
        %get3A_336 = vector.shape_cast %get3A_335 : vector<1x16xf32> to vector<16xf32>
        %add3A_337 = arith.addf %get3A_332, %get3A_336 : vector<16xf32>
        %swap3A_338 = arith.index_cast %add3A_230 : i32 to index
        %swap3A_339 = arith.constant 96 : index
        %swap3A_340 = tpu.vector_load %arg10[%swap3A_338, %swap3A_339] {strides = array<i32>} : memref<200x128xf32, #tpu.memory_space<vmem>>, vector<1x16xf32>,
        %swap3A_341 = vector.shape_cast %swap3A_340 : vector<1x16xf32> to vector<16xf32>
        %swap3A_342 = vector.shape_cast %add3A_337 : vector<16xf32> to vector<1x16xf32>
        tpu.vector_store %arg10[%swap3A_338, %swap3A_339], %swap3A_342 {strides = array<i32>} : memref<200x128xf32, #tpu.memory_space<vmem>>, vector<1x16xf32>,
        %add3A_343 = arith.constant 1 : i32
        %add3A_344 = arith.addi %mul3A_232, %add3A_343 : i32
        %get3A_345 = arith.index_cast %add3A_344 : i32 to index
        %get3A_346 = arith.constant 48 : index
        %get3A_347 = tpu.vector_load %arg8[%get3A_345, %get3A_346] {strides = array<i32>} : memref<400x64xf32, #tpu.memory_space<vmem>>, vector<1x16xf32>,
        %get3A_348 = vector.shape_cast %get3A_347 : vector<1x16xf32> to vector<16xf32>
        %get3A_349 = arith.index_cast %add3A_230 : i32 to index
        %get3A_350 = arith.constant 112 : index
        %get3A_351 = tpu.vector_load %arg11[%get3A_349, %get3A_350] {strides = array<i32>} : memref<200x128xf32, #tpu.memory_space<vmem>>, vector<1x16xf32>,
        %get3A_352 = vector.shape_cast %get3A_351 : vector<1x16xf32> to vector<16xf32>
        %add3A_353 = arith.addf %get3A_348, %get3A_352 : vector<16xf32>
        %swap3A_354 = arith.index_cast %add3A_230 : i32 to index
        %swap3A_355 = arith.constant 112 : index
        %swap3A_356 = tpu.vector_load %arg10[%swap3A_354, %swap3A_355] {strides = array<i32>} : memref<200x128xf32, #tpu.memory_space<vmem>>, vector<1x16xf32>,
        %swap3A_357 = vector.shape_cast %swap3A_356 : vector<1x16xf32> to vector<16xf32>
        %swap3A_358 = vector.shape_cast %add3A_353 : vector<16xf32> to vector<1x16xf32>
        tpu.vector_store %arg10[%swap3A_354, %swap3A_355], %swap3A_358 {strides = array<i32>} : memref<200x128xf32, #tpu.memory_space<vmem>>, vector<1x16xf32>,
      }
      %scan3A_194 = arith.constant 200 : i32
      %mul3A_195 = arith.constant 400 : i32
      %mul3A_196 = arith.muli %add3A_163, %mul3A_195 : i32
      %add3A_197 = arith.addi %mul3A_2, %mul3A_196 : i32
      %jit3A_198 = arith.constant 2 : i32
      %div3A_199 = arith.divsi %add3A_197, %jit3A_198 : i32
      %sign3A_200 = arith.constant 0 : i32
      %sign3A_201 = arith.cmpi sgt, %add3A_197, %sign3A_200 : i32
      %sign3A_202 = arith.extui %sign3A_201 : i1 to i32
      %sign3A_203 = arith.constant 0 : i32
      %sign3A_204 = arith.cmpi slt, %add3A_197, %sign3A_203 : i32
      %sign3A_205 = arith.extui %sign3A_204 : i1 to i32
      %sign3A_206 = arith.subi %sign3A_202, %sign3A_205 : i32
      %sign3A_207 = arith.constant 0 : i32
      %sign3A_208 = arith.cmpi sgt, %jit3A_198, %sign3A_207 : i32
      %sign3A_209 = arith.extui %sign3A_208 : i1 to i32
      %sign3A_210 = arith.constant 0 : i32
      %sign3A_211 = arith.cmpi slt, %jit3A_198, %sign3A_210 : i32
      %sign3A_212 = arith.extui %sign3A_211 : i1 to i32
      %sign3A_213 = arith.subi %sign3A_209, %sign3A_212 : i32
      %ne3A_214 = arith.cmpi ne, %sign3A_206, %sign3A_213 : i32
      %rem3A_215 = arith.remsi %add3A_197, %jit3A_198 : i32
      %ne3A_216 = arith.constant 0 : i32
      %ne3A_217 = arith.cmpi ne, %rem3A_215, %ne3A_216 : i32
      %and3A_218 = arith.andi %ne3A_214, %ne3A_217 : i1
      %sub3A_219 = arith.constant 1 : i32
      %sub3A_220 = arith.subi %div3A_199, %sub3A_219 : i32
      %select_n3A_221 = arith.select %and3A_218, %sub3A_220, %div3A_199 : i32
      %dma_start3A_222 = arith.constant 0 : i32
      %dma_start3A_223 = tpu.memref_slice %arg5[%select_n3A_221, %dma_start3A_222] : memref<409600x128xf32, #tpu.memory_space<hbm>> -> memref<200x128xf32, #tpu.memory_space<hbm>>
      %dma_start3A_224 = arith.constant 0 : i32
      %dma_start3A_225 = tpu.memref_slice %arg5[%select_n3A_221, %dma_start3A_224] : memref<409600x128xf32, #tpu.memory_space<hbm>> -> memref<200x128xf32, #tpu.memory_space<hbm>>
      tpu.enqueue_dma source(%arg10 : memref<200x128xf32, #tpu.memory_space<vmem>>) target(%dma_start3A_225 : memref<200x128xf32, #tpu.memory_space<hbm>>) target_semaphore(%arg17 : memref<!tpu.dma_semaphore, #tpu.memory_space<semaphore_mem>>)
    }
    %scan3A_44 = arith.constant 32 : i32
    %add3A_45 = arith.constant 24800 : i32
    %add3A_46 = arith.addi %mul3A_2, %add3A_45 : i32
    %jit3A = arith.constant 2 : i32
    %div3A = arith.divsi %add3A_46, %jit3A : i32
    %sign3A = arith.constant 0 : i32
    %sign3A_47 = arith.cmpi sgt, %add3A_46, %sign3A : i32
    %sign3A_48 = arith.extui %sign3A_47 : i1 to i32
    %sign3A_49 = arith.constant 0 : i32
    %sign3A_50 = arith.cmpi slt, %add3A_46, %sign3A_49 : i32
    %sign3A_51 = arith.extui %sign3A_50 : i1 to i32
    %sign3A_52 = arith.subi %sign3A_48, %sign3A_51 : i32
    %sign3A_53 = arith.constant 0 : i32
    %sign3A_54 = arith.cmpi sgt, %jit3A, %sign3A_53 : i32
    %sign3A_55 = arith.extui %sign3A_54 : i1 to i32
    %sign3A_56 = arith.constant 0 : i32
    %sign3A_57 = arith.cmpi slt, %jit3A, %sign3A_56 : i32
    %sign3A_58 = arith.extui %sign3A_57 : i1 to i32
    %sign3A_59 = arith.subi %sign3A_55, %sign3A_58 : i32
    %ne3A = arith.cmpi ne, %sign3A_52, %sign3A_59 : i32
    %rem3A = arith.remsi %add3A_46, %jit3A : i32
    %ne3A_60 = arith.constant 0 : i32
    %ne3A_61 = arith.cmpi ne, %rem3A, %ne3A_60 : i32
    %and3A = arith.andi %ne3A, %ne3A_61 : i1
    %sub3A = arith.constant 1 : i32
    %sub3A_62 = arith.subi %div3A, %sub3A : i32
    %select_n3A = arith.select %and3A, %sub3A_62, %div3A : i32
    %dma_wait3A_63 = arith.constant 0 : i32
    %dma_wait3A_64 = tpu.memref_slice %arg5[%select_n3A, %dma_wait3A_63] : memref<409600x128xf32, #tpu.memory_space<hbm>> -> memref<200x128xf32, #tpu.memory_space<hbm>>
    %dma_wait3A_65 = arith.constant 0 : i32
    %dma_wait3A_66 = tpu.memref_slice %arg5[%select_n3A, %dma_wait3A_65] : memref<409600x128xf32, #tpu.memory_space<hbm>> -> memref<200x128xf32, #tpu.memory_space<hbm>>
    tpu.wait_dma2 semaphore(%arg16 : memref<!tpu.dma_semaphore, #tpu.memory_space<semaphore_mem>>) src(%arg9 : memref<200x128xf32, #tpu.memory_space<vmem>>) dst(%dma_wait3A_66 : memref<200x128xf32, #tpu.memory_space<hbm>>)
    %add3A_67 = arith.constant 25200 : i32
    %add3A_68 = arith.addi %mul3A_2, %add3A_67 : i32
    %jit3A_69 = arith.constant 2 : i32
    %div3A_70 = arith.divsi %add3A_68, %jit3A_69 : i32
    %sign3A_71 = arith.constant 0 : i32
    %sign3A_72 = arith.cmpi sgt, %add3A_68, %sign3A_71 : i32
    %sign3A_73 = arith.extui %sign3A_72 : i1 to i32
    %sign3A_74 = arith.constant 0 : i32
    %sign3A_75 = arith.cmpi slt, %add3A_68, %sign3A_74 : i32
    %sign3A_76 = arith.extui %sign3A_75 : i1 to i32
    %sign3A_77 = arith.subi %sign3A_73, %sign3A_76 : i32
    %sign3A_78 = arith.constant 0 : i32
    %sign3A_79 = arith.cmpi sgt, %jit3A_69, %sign3A_78 : i32
    %sign3A_80 = arith.extui %sign3A_79 : i1 to i32
    %sign3A_81 = arith.constant 0 : i32
    %sign3A_82 = arith.cmpi slt, %jit3A_69, %sign3A_81 : i32
    %sign3A_83 = arith.extui %sign3A_82 : i1 to i32
    %sign3A_84 = arith.subi %sign3A_80, %sign3A_83 : i32
    %ne3A_85 = arith.cmpi ne, %sign3A_77, %sign3A_84 : i32
    %rem3A_86 = arith.remsi %add3A_68, %jit3A_69 : i32
    %ne3A_87 = arith.constant 0 : i32
    %ne3A_88 = arith.cmpi ne, %rem3A_86, %ne3A_87 : i32
    %and3A_89 = arith.andi %ne3A_85, %ne3A_88 : i1
    %sub3A_90 = arith.constant 1 : i32
    %sub3A_91 = arith.subi %div3A_70, %sub3A_90 : i32
    %select_n3A_92 = arith.select %and3A_89, %sub3A_91, %div3A_70 : i32
    %dma_wait3A_93 = arith.constant 0 : i32
    %dma_wait3A_94 = tpu.memref_slice %arg5[%select_n3A_92, %dma_wait3A_93] : memref<409600x128xf32, #tpu.memory_space<hbm>> -> memref<200x128xf32, #tpu.memory_space<hbm>>
    %dma_wait3A_95 = arith.constant 0 : i32
    %dma_wait3A_96 = tpu.memref_slice %arg5[%select_n3A_92, %dma_wait3A_95] : memref<409600x128xf32, #tpu.memory_space<hbm>> -> memref<200x128xf32, #tpu.memory_space<hbm>>
    tpu.wait_dma2 semaphore(%arg17 : memref<!tpu.dma_semaphore, #tpu.memory_space<semaphore_mem>>) src(%arg10 : memref<200x128xf32, #tpu.memory_space<vmem>>) dst(%dma_wait3A_96 : memref<200x128xf32, #tpu.memory_space<hbm>>)
    return
  }
}

</mosaic_0001>

<sc_bundles>
// kernel: kernel.3.cloned.1.call-start
scs
__scs_entry_jumppad:
0x0: {  	(pc) =	sbr.rel $0x88, $3  }
0x1: {  	(tag) =	ssettag $0x0;
	lr =	simm.s32 $0x1  }
0x2: {  	[smem:$0x3F9F] =	sst lr;
	_ =	strace $0xD0000000  }
0x3: {  	_ = 	snop  }
0x4: {  	_ = 	snop  }
0x5: {  	_ = 	snop  }
0x6: {  	_ = 	snop  }
0x7: {  	_ = 	snop  }
__scs_overlays_trampoline_lowered:
0x8: {  	[smem:$0x3FAE] =	sst s0  }
0x9: {  	[smem:$0x3FAF] =	sst s1  }
0xa: {  	[smem:$0x3FB0] =	sst s2  }
0xb: {  	[smem:$0x3FB1] =	sst s3  }
0xc: {  	[smem:$0x3FB2] =	sst s4  }
0xd: {  	[smem:$0x3FB3] =	sst s5  }
0xe: {  	[smem:$0x3FB4] =	sst s6  }
0xf: {  	[smem:$0x3FB5] =	sst s7  }
0x10: {  	[smem:$0x3FB6] =	sst s8  }
0x11: {  	[smem:$0x3FB7] =	sst s9;
	s0 =	simm.s32 @!p0 $0x0  }
0x12: {  	s1 =	sld [smem:$0x3F9D];
	s0 =	simm.s32 @p0 $0x1  }
0x13: {  	[smem:$0x3FB8] =	sst s0;
	s0 =	simm.s32 @!p1 $0x0  }
0x14: {  	s2 =	sld [smem:$0x3F9C];
	s0 =	simm.s32 @p1 $0x1  }
0x15: {  	[smem:$0x3FB9] =	sst s0;
	s0 =	simm.s32 @!p2 $0x0  }
0x16: {  	s3 =	sld [smem:$0x3FDB];
	s0 =	simm.s32 @p2 $0x1  }
0x17: {  	s4 =	simm.s32 $0x1BF5;
	[smem:$0x3FBB] =	sst s0  }
0x18: {  	s0 =	sld [smem:$0x3F9E];
	_ =	swait.ge [sflag:s4], $0x0  }
0x19: {  	s7 =	sld [smem:$0x3F9F]  }
0x1a: {  	s8 =	sadd.s32 $0xFFFFE003, lr  }
0x1b: {  	s9 =	sadd.s32 $0xFFFFFEF7, lr;
	s5 =	simm.s32 $0xFFFFFFFF;
	p2 =	slt.u32 s8, $0xFFFFF086  }
0x1c: {  	p1 =	slt.u32 s9, $0xF7A;
	s5 =	simm.s32 @!p2 $0x0  }
0x1d: {  	s5 =	simm.s32 @p1 $0x1;
	p0 =	seq.s32 s7, s2  }
0x1e: {  	s7 =	smul.u32 @!p0 $0xF7A, s2;
	p2 =	seq.s32 @!p0 s5, $0x0  }
0x1f: {  	s9 =	smul.u32 $0xF7A, s1;
	s8 =	simm.s32 @!p0 $0x1BF5;
	p2 =	por !p2, p0  }
0x20: {  	[sflag:s8] =	ssyncset.s32 @!p0 $0xFFFFF086;
	s6 =	sadd.s32 @!p0 s3, s7;
	s7 =	simm.s32 @!p0 $0x108  }
0x21: {  	s3 =	sadd.s32 s3, s9;
	s6 =	sadd.s32 @!p0 $0x88, s6;
	s7 =	simm.s32 @p2 $0x1082  }
0x22: {  	[simem:s7], [sflag:s8] =	dma.local @!p0 [hbm:s6], $0xF7A  }
0x23: {  	s9 =	sor.u32 $0xD0000000, s2;
	s6 =	simm.s32 $0x108;
	_ =	swait.ge @!p0 [sflag:s8], $0x0  }
0x24: {  	s3 =	sadd.s32 $0x88, s3;
	s6 =	simm.s32 @!p1 $0x1082;
	[sflag:s4] =	ssyncset.s32 $0xFFFFF086  }
0x25: {  	[simem:s6], [sflag:s4] =	dma.local [hbm:s3], $0xF7A  }
0x26: {  	[smem:$0x3F9F] =	sst s1;
	(tag) =	ssettag s2;
	_ =	strace s9  }
0x27: {  	s1 =	sld [smem:$0x3FAF]  }
0x28: {  	s2 =	sld [smem:$0x3FB0]  }
0x29: {  	s4 =	sld [smem:$0x3FB2]  }
0x2a: {  	p0 =	seq.s32 s5, $0x0;
	s5 =	sld [smem:$0x3FB3]  }
0x2b: {  	s6 =	sld [smem:$0x3FB4]  }
0x2c: {  	s7 =	sld [smem:$0x3FB5]  }
0x2d: {  	s3 =	simm.s32 $0x108;
	s8 =	sld [smem:$0x3FB6]  }
0x2e: {  	s3 =	simm.s32 @!p0 $0x1082;
	s9 =	sld [smem:$0x3FB7]  }
0x2f: {  	lr =	sadd.s32 s0, s3;
	s0 =	sld [smem:$0x3FAE]  }
0x30: {  	s3 =	sld [smem:$0x3FB1]  }
0x31: {  	[smem:$0x3FBA] =	sst s10  }
0x32: {  	s10 =	sld [smem:$0x3FB8];
	_ =	sdelay $0x3  }
0x33: {  	p0 =	seq.s32 s10, $0x1;
	s10 =	sld [smem:$0x3FBA];
	_ =	sdelay $0x3  }
0x34: {  	[smem:$0x3FBA] =	sst s10  }
0x35: {  	s10 =	sld [smem:$0x3FB9];
	_ =	sdelay $0x3  }
0x36: {  	p1 =	seq.s32 s10, $0x1;
	s10 =	sld [smem:$0x3FBA];
	_ =	sdelay $0x3  }
0x37: {  	[smem:$0x3FBA] =	sst s10  }
0x38: {  	s10 =	sld [smem:$0x3FBB]  }
0x39: {  	_ = 	snop;
	(pc) =	sbr.ind lr, $3  }
0x3a: {  	_ = 	snop  }
0x3b: {  	_ = 	snop  }
0x3c: {  	p2 =	seq.s32 s10, $0x1;
	s10 =	sld [smem:$0x3FBA]  }
0x3d: {  	_ =	shalt  }
0x3e: {  	_ =	shalt  }
0x3f: {  	_ =	shalt  }
0x40: {  	_ =	shalt  }
0x41: {  	_ =	shalt  }
0x42: {  	_ =	shalt  }
0x43: {  	_ =	shalt  }
0x44: {  	_ =	shalt  }
0x45: {  	_ =	shalt  }
0x46: {  	_ =	shalt  }
0x47: {  	_ =	shalt  }
0x48: {  	_ =	shalt  }
0x49: {  	_ =	shalt  }
0x4a: {  	_ =	shalt  }
0x4b: {  	_ =	shalt  }
0x4c: {  	_ =	shalt  }
0x4d: {  	_ =	shalt  }
0x4e: {  	_ =	shalt  }
0x4f: {  	_ =	shalt  }
0x50: {  	_ =	shalt  }
0x51: {  	_ =	shalt  }
0x52: {  	_ =	shalt  }
0x53: {  	_ =	shalt  }
0x54: {  	_ =	shalt  }
0x55: {  	_ =	shalt  }
0x56: {  	_ =	shalt  }
0x57: {  	_ =	shalt  }
0x58: {  	_ =	shalt  }
0x59: {  	_ =	shalt  }
0x5a: {  	_ =	shalt  }
0x5b: {  	_ =	shalt  }
0x5c: {  	_ =	shalt  }
0x5d: {  	_ =	shalt  }
0x5e: {  	_ =	shalt  }
0x5f: {  	_ =	shalt  }
0x60: {  	_ =	shalt  }
0x61: {  	_ =	shalt  }
0x62: {  	_ =	shalt  }
0x63: {  	_ =	shalt  }
0x64: {  	_ =	shalt  }
0x65: {  	_ =	shalt  }
0x66: {  	_ =	shalt  }
0x67: {  	_ =	shalt  }
0x68: {  	_ =	shalt  }
0x69: {  	_ =	shalt  }
0x6a: {  	_ =	shalt  }
0x6b: {  	_ =	shalt  }
0x6c: {  	_ =	shalt  }
0x6d: {  	_ =	shalt  }
0x6e: {  	_ =	shalt  }
0x6f: {  	_ =	shalt  }
0x70: {  	_ =	shalt  }
0x71: {  	_ =	shalt  }
0x72: {  	_ =	shalt  }
0x73: {  	_ =	shalt  }
0x74: {  	_ =	shalt  }
0x75: {  	_ =	shalt  }
0x76: {  	_ =	shalt  }
0x77: {  	_ =	shalt  }
0x78: {  	_ =	shalt  }
0x79: {  	_ =	shalt  }
0x7a: {  	_ =	shalt  }
0x7b: {  	_ =	shalt  }
0x7c: {  	_ =	shalt  }
0x7d: {  	_ =	shalt  }
0x7e: {  	_ =	shalt  }
0x7f: {  	_ =	shalt  }
0x80: {  	_ =	shalt  }
0x81: {  	_ =	shalt  }
0x82: {  	_ =	shalt  }
0x83: {  	_ =	shalt  }
0x84: {  	_ =	shalt  }
0x85: {  	_ =	shalt  }
0x86: {  	_ =	shalt  }
0x87: {  	_ =	shalt  }
.Lfunc_end0:
.L_simem_size_0:
called_computation.1_lowered:
.L_overlay_start_0:
0x88: {  	s2 =	sld [smem:$0x3FD9]  }
0x89: {  	s3 =	sld [smem:$0x3FFE];
	_ =	sdelay $0x1  }
0x8a: {  	s1 =	srdreg.scid  }
0x8b: {  	s0 =	sand.u32 $0x1, s1  }
0x8c: {  	s17 =	sshll.u32 s0, $0xA;
	s2 =	sadd.s32 s3, s2  }
0x8d: {  	s2 =	sadd.s32 s2, s17  }
0x8e: {  	[smem:$0x3FC6] =	sst s2  }
0x8f: {  	_ = 	snop  }
0x90: {  	s2 =	sld [smem:$0x3FD0];
	(tm) =	ssettm $0x1  }
0x91: {  	s18 =	sld [smem:$0x3FFB];
	_ =	sdelay $0x3  }
0x92: {  	_ =	strace s18  }
0x93: {  	s3 =	sld [smem:$0x3FFC];
	_ =	sdelay $0x3  }
0x94: {  	_ =	strace s3  }
0x95: {  	s3 =	sld [smem:$0x3FFD];
	_ =	sdelay $0x3  }
0x96: {  	_ =	strace s3  }
0x97: {  	_ =	strace $0x8FFFFFFF  }
0x98: {  	s19 =	sld [smem:$0x3FDB];
	_ =	sdelay $0x1  }
0x99: {  	s4 =	simm.s32 $_scs_section_size  }
0x9a: {  	s5 =	simm.s32 $_size__tile_overlayer_lowered;
	s6 =	simm.s32 $_tile_overlayer_lowered  }
0x9b: {  	s22 =	simm.s32 $0x1BFF;
	s21 =	sshll.u32 s6, $0x1;
	s3 =	sadd.s32 s4, s19  }
0x9c: {  	s7 =	simm.s32 $0x0;
	s20 =	sshll.u32 s5, $0x1;
	s5 =	sadd.s32 s21, s3  }
0x9d: {  	[timem:s7], [sflag:s22] =	dma.local [hbm:s5], s20  }
0x9e: {  	_ =	swait.ge [sflag:s22], s20  }
0x9f: {  	s4 =	ssub.s32 $0x0, s20;
	[sflag:s22] =	ssyncset.done $0x0  }
0xa0: {  	[sflag:s22] =	ssyncadd.s32 s4;
	_ =	sdelay $0x1  }
0xa1: {  	s23 =	simm.s32 $0x1B8B  }
0xa2: {  	_ =	swait.ge [sflag:s23], $0x1  }
0xa3: {  	[sflag:s23] =	ssyncset.done $0x0  }
0xa4: {  	s25 =	simm.s32 $0x1B8E;
	s24 =	sld [smem:$0x3FFE];
	[sflag:s23] =	ssyncadd.s32 $0xFFFFFFFF  }
0xa5: {  	s26 =	simm.s32 $execute0_lowered;
	[smem:$0x3FD2] =	sst s25  }
0xa6: {  	s5 =	sshll.u32 s26, $0x1;
	_ =	strace $0x80000046;
	[dreg:$0x1] =	wrdreg $0xFFFFFFFF  }
0xa7: {  	s28 =	simm.s32 $_size_execute0_lowered;
	s3 =	sadd.s32 s3, s5;
	[dreg:$0x0] =	wrdreg $0x0  }
0xa8: {  	s5 =	sshll.u32 s28, $0x1;
	[dreg:$0x2] =	wrdreg s3  }
0xa9: {  	[dreg:$0x3] =	wrdreg s5  }
0xaa: {  	[dreg:$0x4] =	wrdreg $0xC0  }
0xab: {  	_ =	task [dreg:s7], $0x5FFFF  }
0xac: {  	[dreg:$0x1] =	wrdreg $0xFFFFFFFF  }
0xad: {  	[dreg:$0x0] =	wrdreg $0x60  }
0xae: {  	[dreg:$0x2] =	wrdreg s24  }
0xaf: {  	[dreg:$0x3] =	wrdreg s2  }
0xb0: {  	[dreg:$0x4] =	wrdreg $0x9  }
0xb1: {  	_ =	task.clear_ibuf [dreg:s7], $0x5FFFF;
	_ =	strace $0x90000046  }
0xb2: {  	s29 =	simm.s32 $0x9;
	_ =	strace $0x80000048  }
0xb3: {  	_ =	swait.ge [sflag:s29], $0x1  }
0xb4: {  	[sflag:s29] =	ssyncadd.s32 $0xFFFFFFFF  }
0xb5: {  	_ =	strace $0x90000048  }
0xb6: {  	_ =	sfence  }
0xb7: {  	s30 =	sld [smem:$0x0];
	_ =	sdelay $0x2  }
0xb8: {  	s31 =	sshll.u32 s1, $0xD;
	s1 =	sshrl.u32 s1, $0x2  }
0xb9: {  	s3 =	sand.u32 $0x4000, s31;
	s1 =	sadd.s32 s1, s30  }
0xba: {  	s0 =	sor.u32 s3, s0;
	s1 =	sshll.u32 s1, $0x11  }
0xbb: {  	s0 =	sor.u32 s1, s0  }
0xbc: {  	s0 =	sadd.s32 $0x8F2B, s0  }
0xbd: {  	[sflag:s0] =	ssyncadd.remote.s32 $0x1  }
0xbe: {  	_ =	sfence.sel $0xFFFF  }
0xbf: {  	[dreg:$0x0] =	wrdreg $0xFFFFFFFF;
	(pc) =	sbr.abs _section_cstart, $3  }
0xc0: {  	[dreg:$0x1] =	wrdreg $0xFFFFFFFF  }
0xc1: {  	_ =	task.clear_ibuf [dreg:s7], $0x2FFFF;
	_ =	strace $0x9FFFFFFF  }
0xc2: {  	(tm) =	ssettm $0x7FFFFFFF  }
0xc3: {  	_ =	shalt  }
tec
execute0_lowered:
.L_overlay_start_1:
0x0: {  	(tag) =	ssettag $0x1  }
0x1: {  	s0 =	rddreg [dreg:$0x0];
	s1 =	srdreg.scid  }
0x2: {  	s3 =	stileid.u32;
	s2 =	rddreg [dreg:$0x1];
	s14 =	simm.s32 $0x19320  }
0x3: {  	s15 =	simm.s32 $0x7;
	s16 =	simm.s32 $0x190;
	s17 =	simm.s32 $0x1  }
0x4: {  	s18 =	simm.s32 $0x320;
	s19 =	simm.s32 $0x2;
	s20 =	simm.s32 $0x6720  }
0x5: {  	s21 =	simm.s32 $0x3;
	s22 =	simm.s32 $0xCB20;
	s23 =	simm.s32 $0x4  }
0x6: {  	s24 =	simm.s32 $0x6;
	s25 =	simm.s32 $0x12F20;
	s26 =	simm.s32 $0x5  }
0x7: {  	s28 =	simm.s32 $0x0;
	s1 =	sand.u32 $0x1, s1;
	s4 =	sshll.u32 s3, $0x1  }
0x8: {  	s3 =	simm.s32 $0x0;
	s5 =	sadd.s32 $0x1200, s0;
	s4 =	sor.u32 s1, s4  }
0x9: {  	s6 =	sadd.s32 $0xF43600, s0;
	s1 =	ssub.s32 $0x2, s1;
	s4 =	smul.u32 $0x6400, s4  }
0xa: {  	s8 =	sadd.s32 $0x400, s0;
	[smem:$0x7FF] =	sst s3;
	s9 =	sshrl.u32 s1, $0x1  }
0xb: {  	_ =	strace $0x80000047;
	s31 =	ssub.s32 s1, s9;
	s7 =	sshrl.u32 s4, $0x3  }
0xc: {  	s10 =	sor.u32 $0x320, s4;
	s11 =	sadd.s32 $0x4B0, s4;
	s7 =	sadd.s32 s5, s7  }
0xd: {  	s12 =	sor.u32 $0x190, s4;
	s13 =	smax.u32 s31, $0x1;
	s9 =	sadd.s32 $0x32, s7  }
.LBB2_1:
0xe: {  	[tilespmem:s14], [sflag:$0x7] =	stream.linear.gather [hbm4b:s8+s3], $0x6400, $0x38;
	[tilespmem:$0x1F720] =	vst v63  }
0xf: {  	_ =	swait.ge [sflag:s15], $0x6400  }
0x10: {  	[sflag:s15] =	ssyncset.done $0x0  }
0x11: {  	[sflag:s15] =	ssyncadd.s32 $0xFFFF9C00  }
0x12: {  	[tilespmem:s3], [sflag:$0x1] =	stream.linear.gather [hbm4b:s7+s3], $0x190, $0x38;
	[tilespmem:$0x1F720] =	vst v63  }
0x13: {  	_ = 	snop  }
0x14: {  	[tilespmem:s16], [sflag:$0x2] =	stream.linear.gather [hbm4b:s9+s3], $0x190, $0x38;
	[tilespmem:$0x1F720] =	vst v63  }
0x15: {  	_ =	swait.ge [sflag:s17], $0x190  }
0x16: {  	[sflag:s17] =	ssyncset.done $0x0  }
0x17: {  	s29 =	simm.s32 $0x0;
	[sflag:s17] =	ssyncadd.s32 $0xFFFFFE70  }
0x18: {  	[tilespmem:s18], [sflag:$0x3] =	stream.indirect.gather [hbm4b:s6+s16], $0x40, s3, s16, $0xb8;
	[tilespmem:$0x1F720] =	vst v63  }
.LBB2_2:
0x19: {  	_ =	swait.ge [sflag:s19], $0x190;
	p0 =	seq.s32 s29, $0x1F  }
0x1a: {  	[sflag:s19] =	ssyncset.done $0x0;
	p1 =	seq.s32 @!p0 s29, $0x0  }
0x1b: {  	s0 =	smul.u32 @!p0 $0x320, s29;
	[sflag:s19] =	ssyncadd.s32 $0xFFFFFE70;
	p1 =	por p0, !p1  }
0x1c: {  	[tilespmem:s20], [sflag:$0x4] =	stream.indirect.gather [hbm4b:s6+s16], $0x40, s16, s16, $0xb8;
	[tilespmem:$0x1F720] =	vst v63  }
.Ltmp0:
0x1d: {  	_ = 	snop;
	(pc) =	sbr.rel @!p1 .LBB2_3-.Ltmp0, $4  }
0x1e: {  	s0 =	sadd.s32 @!p0 s0, s10;
	_ =	swait.ge [sflag:s21], $0x6400  }
0x1f: {  	s0 =	sshrl.u32 @!p0 s0, $0x3;
	[sflag:s21] =	ssyncset.done $0x0  }
0x20: {  	s1 =	simm.s32 @!p0 $0x0;
	s0 =	sadd.s32 @!p0 s5, s0;
	[sflag:s21] =	ssyncadd.s32 $0xFFFF9C00  }
0x21: {  	[tilespmem:s1], [sflag:$0x1] =	stream.linear.gather @!p0 [hbm4b:s0+s1], $0x190, $0x38;
	[tilespmem:$0x1F720] =	vst v63  }
.Ltmp1:
0x22: {  	(pc) =	sbr.rel .LBB2_5-.Ltmp1, $4  }
0x23: {  	_ = 	snop  }
0x24: {  	_ =	swait.ge [sflag:s26], $0x6400  }
0x25: {  	[sflag:s26] =	ssyncset.done $0x0  }
0x26: {  	p0 =	por $0x0, $0x0;
	[sflag:s26] =	ssyncadd.s32 $0xFFFF9C00  }
.LBB2_3:
0x27: {  	p0 =	por @!p0 $0x1, $0x1  }
.LBB2_5:
0x28: {  	s30 =	simm.s32 $0x0  }
0x29: {  	v0 =	vld [tilespmem:s30+$0x390]  }
0x2a: {  	v1 =	vld [tilespmem:s30+$0x19390]  }
0x2b: {  	v2 =	vld [tilespmem:s30+$0x320]  }
0x2c: {  	v3 =	vld [tilespmem:s30+$0x19320]  }
0x2d: {  	v4 =	vld [tilespmem:s30+$0x330]  }
0x2e: {  	v5 =	vld [tilespmem:s30+$0x19330]  }
0x2f: {  	v6 =	vld [tilespmem:s30+$0x340]  }
0x30: {  	v7 =	vld [tilespmem:s30+$0x350]  }
0x31: {  	v0 =	vadd.f32 v1, v0;
	v1 =	vld [tilespmem:s30+$0x19340]  }
0x32: {  	v8 =	vld [tilespmem:s30+$0x19350]  }
0x33: {  	v9 =	vld [tilespmem:s30+$0x19360];
	v2 =	vadd.f32 v3, v2  }
0x34: {  	[tilespmem:s30+$0xCB90] =	vst v0;
	v0 =	vadd.f32 v5, v4;
	v5 =	vld [tilespmem:s30+$0x360]  }
0x35: {  	v3 =	vld [tilespmem:s30+$0x19370];
	[tilespmem:s30+$0xCB20] =	vst v2  }
0x36: {  	v2 =	vld [tilespmem:s30+$0x370];
	[tilespmem:s30+$0xCB30] =	vst v0;
	v0 =	vadd.f32 v1, v6  }
0x37: {  	v4 =	vld [tilespmem:s30+$0x19380];
	v6 =	vadd.f32 v8, v7  }
0x38: {  	s31 =	simm.s32 $0x80;
	[tilespmem:s30+$0xCB40] =	vst v0;
	v0 =	vld [tilespmem:s30+$0x380]  }
0x39: {  	s1 =	simm.s32 $0x400;
	v5 =	vadd.f32 v9, v5;
	v1 =	vld [tilespmem:s31+$0x390];
	[tilespmem:s30+$0xCB50] =	vst v6  }
.LBB2_6:
0x3a: {  	p1 =	sne.s32 s1, $0x18E00;
	v6 =	vld [tilespmem:s31+$0x19390]  }
0x3b: {  	v7 =	vld [tilespmem:s31+$0x320];
	[tilespmem:s30+$0xCB60] =	vst v5;
	v2 =	vadd.f32 v3, v2  }
0x3c: {  	v3 =	vld [tilespmem:s31+$0x19320]  }
0x3d: {  	v5 =	vld [tilespmem:s31+$0x330];
	[tilespmem:s30+$0xCB70] =	vst v2;
	v0 =	vadd.f32 v4, v0  }
0x3e: {  	v2 =	vld [tilespmem:s31+$0x19330]  }
0x3f: {  	v4 =	vld [tilespmem:s31+$0x340];
	v1 =	vadd.f32 v6, v1;
	[tilespmem:s30+$0xCB80] =	vst v0;
	s30 =	smov.u32 s31  }
0x40: {  	v0 =	vld [tilespmem:s30+$0x19340]  }
0x41: {  	v3 =	vadd.f32 v3, v7;
	v6 =	vld [tilespmem:s30+$0x350];
	[tilespmem:s30+$0xCB90] =	vst v1  }
0x42: {  	v1 =	vld [tilespmem:s30+$0x19350]  }
0x43: {  	[tilespmem:s30+$0xCB20] =	vst v3;
	v2 =	vadd.f32 v2, v5;
	v5 =	vld [tilespmem:s30+$0x360]  }
0x44: {  	v7 =	vld [tilespmem:s30+$0x19360]  }
.Ltmp2:
0x45: {  	[tilespmem:s30+$0xCB30] =	vst v2;
	v0 =	vadd.f32 v0, v4;
	v2 =	vld [tilespmem:s30+$0x370];
	(pc) =	sbr.rel @p1 .LBB2_6-.Ltmp2, $4  }
0x46: {  	v3 =	vld [tilespmem:s30+$0x19370]  }
0x47: {  	[tilespmem:s30+$0xCB40] =	vst v0;
	v6 =	vadd.f32 v1, v6;
	v0 =	vld [tilespmem:s30+$0x380]  }
0x48: {  	s31 =	sshra.s32 s1, $0x2;
	v4 =	vld [tilespmem:s30+$0x19380]  }
0x49: {  	s1 =	sadd.s32 $0x200, s1;
	v1 =	vld [tilespmem:s31+$0x390];
	[tilespmem:s30+$0xCB50] =	vst v6;
	v5 =	vadd.f32 v7, v5  }
0x4a: {  	v6 =	vld [tilespmem:s31+$0x19390]  }
0x4b: {  	v7 =	vld [tilespmem:s31+$0x320];
	[tilespmem:s30+$0xCB60] =	vst v5;
	v2 =	vadd.f32 v3, v2  }
0x4c: {  	v51 =	vld [tilespmem:s31+$0x19320]  }
0x4d: {  	v5 =	vld [tilespmem:s31+$0x330];
	[tilespmem:s30+$0xCB70] =	vst v2;
	v0 =	vadd.f32 v4, v0  }
0x4e: {  	v2 =	vld [tilespmem:s31+$0x19330]  }
0x4f: {  	v52 =	vld [tilespmem:s31+$0x340];
	[tilespmem:s30+$0xCB80] =	vst v0  }
0x50: {  	v54 =	vld [tilespmem:s31+$0x19340]  }
0x51: {  	v55 =	vld [tilespmem:s31+$0x350]  }
0x52: {  	v56 =	vld [tilespmem:s31+$0x19350]  }
0x53: {  	v57 =	vld [tilespmem:s31+$0x360]  }
0x54: {  	v58 =	vld [tilespmem:s31+$0x19360]  }
0x55: {  	v59 =	vld [tilespmem:s31+$0x370]  }
0x56: {  	v53 =	vadd.f32 v6, v1;
	v60 =	vld [tilespmem:s31+$0x19370]  }
0x57: {  	v61 =	vld [tilespmem:s31+$0x380];
	v3 =	vadd.f32 v51, v7  }
0x58: {  	v62 =	vld [tilespmem:s31+$0x19380];
	[tilespmem:s31+$0xCB90] =	vst v53;
	v2 =	vadd.f32 v2, v5  }
0x59: {  	[tilespmem:s31+$0xCB20] =	vst v3;
	v1 =	vadd.f32 v54, v52  }
0x5a: {  	[tilespmem:s31+$0xCB30] =	vst v2;
	v0 =	vadd.f32 v56, v55  }
0x5b: {  	p1 =	sne.s32 s29, $0x1F;
	s30 =	smul.u32 $0x320, s29;
	v3 =	vadd.f32 v58, v57;
	[tilespmem:s31+$0xCB40] =	vst v1  }
.Ltmp3:
0x5c: {  	v63 =	vadd.f32 v60, v59;
	[tilespmem:s31+$0xCB50] =	vst v0;
	(pc) =	sbr.rel @p1 .LBB2_9-.Ltmp3, $4  }
0x5d: {  	s0 =	sadd.s32 s4, s30;
	[tilespmem:s31+$0xCB60] =	vst v3;
	v1 =	vadd.f32 v62, v61  }
0x5e: {  	s0 =	sshll.u32 s0, $0x3;
	[tilespmem:s31+$0xCB70] =	vst v63  }
0x5f: {  	s0 =	sadd.s32 s2, s0;
	[tilespmem:s31+$0xCB80] =	vst v1  }
0x60: {  	[hbm4b:s0+s3] =	stream.linear.scatter [tilespmem:s22], [sflag:$0x5], $0x6400, $0x38;
	[tilespmem:$0x1F720] =	vst v63  }
.Ltmp4:
0x61: {  	(pc) =	sbr.rel .LBB2_10-.Ltmp4, $4  }
0x62: {  	_ = 	snop  }
0x63: {  	_ =	swait.ge [sflag:s23], $0x6400  }
0x64: {  	[sflag:s23] =	ssyncset.done $0x0  }
0x65: {  	[sflag:s23] =	ssyncadd.s32 $0xFFFF9C00  }
.LBB2_9:
0x66: {  	_ =	swait.ge [sflag:s17], $0x190  }
0x67: {  	[sflag:s17] =	ssyncset.done $0x0  }
0x68: {  	[sflag:s17] =	ssyncadd.s32 $0xFFFFFE70  }
0x69: {  	[tilespmem:s18], [sflag:$0x3] =	stream.indirect.gather [hbm4b:s6+s16], $0x40, s3, s16, $0xb8;
	[tilespmem:$0x1F720] =	vst v63  }
.Ltmp5:
0x6a: {  	_ = 	snop;
	(pc) =	sbr.rel @p0 .LBB2_11-.Ltmp5, $4  }
0x6b: {  	s0 =	sadd.s32 s30, s11;
	_ =	swait.ge [sflag:s23], $0x6400  }
0x6c: {  	s0 =	sshrl.u32 s0, $0x3;
	[sflag:s23] =	ssyncset.done $0x0  }
0x6d: {  	s0 =	sadd.s32 s5, s0;
	[sflag:s23] =	ssyncadd.s32 $0xFFFF9C00  }
0x6e: {  	[tilespmem:s16], [sflag:$0x2] =	stream.linear.gather [hbm4b:s0+s3], $0x190, $0x38;
	[tilespmem:$0x1F720] =	vst v63  }
.LBB2_10:
0x6f: {  	_ =	swait.ge [sflag:s24], $0x6400  }
0x70: {  	[sflag:s24] =	ssyncset.done $0x0  }
0x71: {  	[sflag:s24] =	ssyncadd.s32 $0xFFFF9C00  }
.LBB2_11:
0x72: {  	s31 =	simm.s32 $0x0  }
0x73: {  	v0 =	vld [tilespmem:s31+$0x6790]  }
0x74: {  	v1 =	vld [tilespmem:s31+$0x19390]  }
0x75: {  	v2 =	vld [tilespmem:s31+$0x6720]  }
0x76: {  	v3 =	vld [tilespmem:s31+$0x19320]  }
0x77: {  	v4 =	vld [tilespmem:s31+$0x6730]  }
0x78: {  	v5 =	vld [tilespmem:s31+$0x19330]  }
0x79: {  	v6 =	vld [tilespmem:s31+$0x6740]  }
0x7a: {  	v7 =	vld [tilespmem:s31+$0x6750]  }
0x7b: {  	v0 =	vadd.f32 v1, v0;
	v1 =	vld [tilespmem:s31+$0x19340]  }
0x7c: {  	v8 =	vld [tilespmem:s31+$0x19350]  }
0x7d: {  	v9 =	vld [tilespmem:s31+$0x19360];
	v2 =	vadd.f32 v3, v2  }
0x7e: {  	[tilespmem:s31+$0x12F90] =	vst v0;
	v0 =	vadd.f32 v5, v4;
	v5 =	vld [tilespmem:s31+$0x6760]  }
0x7f: {  	v3 =	vld [tilespmem:s31+$0x19370];
	[tilespmem:s31+$0x12F20] =	vst v2  }
0x80: {  	v2 =	vld [tilespmem:s31+$0x6770];
	[tilespmem:s31+$0x12F30] =	vst v0;
	v0 =	vadd.f32 v1, v6  }
0x81: {  	v4 =	vld [tilespmem:s31+$0x19380];
	v6 =	vadd.f32 v8, v7  }
0x82: {  	s1 =	simm.s32 $0x80;
	[tilespmem:s31+$0x12F40] =	vst v0;
	v0 =	vld [tilespmem:s31+$0x6780]  }
0x83: {  	s0 =	simm.s32 $0x400;
	v5 =	vadd.f32 v9, v5;
	v1 =	vld [tilespmem:s1+$0x6790];
	[tilespmem:s31+$0x12F50] =	vst v6  }
.LBB2_12:
0x84: {  	p0 =	sne.s32 s0, $0x18E00;
	v6 =	vld [tilespmem:s1+$0x19390]  }
0x85: {  	v7 =	vld [tilespmem:s1+$0x6720];
	[tilespmem:s31+$0x12F60] =	vst v5;
	v2 =	vadd.f32 v3, v2  }
0x86: {  	v3 =	vld [tilespmem:s1+$0x19320]  }
0x87: {  	v5 =	vld [tilespmem:s1+$0x6730];
	[tilespmem:s31+$0x12F70] =	vst v2;
	v0 =	vadd.f32 v4, v0  }
0x88: {  	v2 =	vld [tilespmem:s1+$0x19330]  }
0x89: {  	v4 =	vld [tilespmem:s1+$0x6740];
	v1 =	vadd.f32 v6, v1;
	[tilespmem:s31+$0x12F80] =	vst v0;
	s31 =	smov.u32 s1  }
0x8a: {  	v0 =	vld [tilespmem:s31+$0x19340]  }
0x8b: {  	v3 =	vadd.f32 v3, v7;
	v6 =	vld [tilespmem:s31+$0x6750];
	[tilespmem:s31+$0x12F90] =	vst v1  }
0x8c: {  	v1 =	vld [tilespmem:s31+$0x19350]  }
0x8d: {  	[tilespmem:s31+$0x12F20] =	vst v3;
	v2 =	vadd.f32 v2, v5;
	v5 =	vld [tilespmem:s31+$0x6760]  }
0x8e: {  	v7 =	vld [tilespmem:s31+$0x19360]  }
.Ltmp6:
0x8f: {  	[tilespmem:s31+$0x12F30] =	vst v2;
	v0 =	vadd.f32 v0, v4;
	v2 =	vld [tilespmem:s31+$0x6770];
	(pc) =	sbr.rel @p0 .LBB2_12-.Ltmp6, $4  }
0x90: {  	v3 =	vld [tilespmem:s31+$0x19370]  }
0x91: {  	[tilespmem:s31+$0x12F40] =	vst v0;
	v6 =	vadd.f32 v1, v6;
	v0 =	vld [tilespmem:s31+$0x6780]  }
0x92: {  	s1 =	sshra.s32 s0, $0x2;
	v4 =	vld [tilespmem:s31+$0x19380]  }
0x93: {  	s0 =	sadd.s32 $0x200, s0;
	v1 =	vld [tilespmem:s1+$0x6790];
	[tilespmem:s31+$0x12F50] =	vst v6;
	v5 =	vadd.f32 v7, v5  }
0x94: {  	v6 =	vld [tilespmem:s1+$0x19390]  }
0x95: {  	v7 =	vld [tilespmem:s1+$0x6720];
	[tilespmem:s31+$0x12F60] =	vst v5;
	v2 =	vadd.f32 v3, v2  }
0x96: {  	v51 =	vld [tilespmem:s1+$0x19320]  }
0x97: {  	v5 =	vld [tilespmem:s1+$0x6730];
	[tilespmem:s31+$0x12F70] =	vst v2;
	v0 =	vadd.f32 v4, v0  }
0x98: {  	v2 =	vld [tilespmem:s1+$0x19330]  }
0x99: {  	v52 =	vld [tilespmem:s1+$0x6740];
	[tilespmem:s31+$0x12F80] =	vst v0  }
0x9a: {  	v54 =	vld [tilespmem:s1+$0x19340]  }
0x9b: {  	v55 =	vld [tilespmem:s1+$0x6750]  }
0x9c: {  	v56 =	vld [tilespmem:s1+$0x19350]  }
0x9d: {  	v57 =	vld [tilespmem:s1+$0x6760]  }
0x9e: {  	v58 =	vld [tilespmem:s1+$0x19360]  }
0x9f: {  	v59 =	vld [tilespmem:s1+$0x6770]  }
0xa0: {  	v53 =	vadd.f32 v6, v1;
	v60 =	vld [tilespmem:s1+$0x19370]  }
0xa1: {  	v61 =	vld [tilespmem:s1+$0x6780];
	v3 =	vadd.f32 v51, v7  }
0xa2: {  	v62 =	vld [tilespmem:s1+$0x19380];
	[tilespmem:s1+$0x12F90] =	vst v53;
	v2 =	vadd.f32 v2, v5  }
0xa3: {  	[tilespmem:s1+$0x12F20] =	vst v3;
	v1 =	vadd.f32 v54, v52  }
0xa4: {  	s29 =	sadd.s32 $0x1, s29;
	[tilespmem:s1+$0x12F30] =	vst v2;
	v0 =	vadd.f32 v56, v55  }
0xa5: {  	p0 =	sne.s32 s29, $0x20;
	v3 =	vadd.f32 v58, v57;
	[tilespmem:s1+$0x12F40] =	vst v1  }
.Ltmp7:
0xa6: {  	s0 =	sadd.s32 s30, s12;
	v63 =	vadd.f32 v60, v59;
	[tilespmem:s1+$0x12F50] =	vst v0;
	(pc) =	sbr.rel @p0 .LBB2_2-.Ltmp7, $4  }
0xa7: {  	s0 =	sshll.u32 s0, $0x3;
	[tilespmem:s1+$0x12F60] =	vst v3;
	v1 =	vadd.f32 v62, v61  }
0xa8: {  	s0 =	sand.u32 $0x1FFFFF80, s0;
	[tilespmem:s1+$0x12F70] =	vst v63  }
0xa9: {  	s0 =	sadd.s32 s2, s0;
	[tilespmem:s1+$0x12F80] =	vst v1  }
0xaa: {  	[hbm4b:s0+s3] =	stream.linear.scatter [tilespmem:s25], [sflag:$0x6], $0x6400, $0x38;
	[tilespmem:$0x1F720] =	vst v63  }
0xab: {  	s28 =	sadd.s32 $0x1, s28  }
0xac: {  	_ =	swait.ge [sflag:s26], $0x6400;
	p0 =	sne.s32 s28, s13  }
.Ltmp8:
0xad: {  	[sflag:s26] =	ssyncset.done $0x0;
	(pc) =	sbr.rel @p0 .LBB2_1-.Ltmp8, $4  }
0xae: {  	[sflag:s26] =	ssyncadd.s32 $0xFFFF9C00  }
0xaf: {  	_ =	swait.ge [sflag:s24], $0x6400  }
0xb0: {  	[sflag:s24] =	ssyncset.done $0x0  }
0xb1: {  	[sflag:s24] =	ssyncadd.s32 $0xFFFF9C00  }
0xb2: {  	_ =	sfence.sel $0x180000  }
0xb3: {  	[bflag:$0x0] =	sbarrier.arrive $0xFFFF  }
0xb4: {  	_ =	strace $0x90000047  }
0xb5: {  	s0 =	stileid.u32;
	[bflag:$0x2] =	sbarrier.arrive $0xFFFF  }
0xb6: {  	p0 =	sne.s32 s0, $0x0;
	s0 =	rddreg [dreg:$0x2]  }
0xb7: {  	s0 =	sadd.s32 @!p0 $0x100000, s0  }
0xb8: {  	[sflag:s0] =	ssyncadd.tile.s32 @!p0 $0x1;
	_ =	shalt  }
.Lfunc_end2:
_tile_overlayer_lowered:
.L_overlay_start_2:
0xb9: {  	(tag) =	ssettag $0x2  }
0xba: {  	s0 =	rddreg [dreg:$0x0];
	s2 =	stileid.u32  }
0xbb: {  	s1 =	rddreg [dreg:$0x1];
	p0 =	sne.s32 s2, $0x0  }
0xbc: {  	s3 =	rddreg [dreg:$0x2];
	[bflag:$0x3] =	sbarrier.arrive $0xFFFF;
	s2 =	simm.s32 @!p0 $0x1C07  }
0xbd: {  	[timem:s3], [sflag:s2] =	dma.local @!p0 [hbm:s0], s1  }
0xbe: {  	s0 =	simm.s32 @!p0 $0x7  }
0xbf: {  	_ =	swait.ge @!p0 [sflag:s0], s1  }
0xc0: {  	s1 =	ssub.s32 @!p0 $0x0, s1;
	[sflag:s0] =	ssyncset.done @!p0 $0x0  }
0xc1: {  	[sflag:s0] =	ssyncadd.s32 @!p0 s1  }
0xc2: {  	[bflag:$0x3] =	sbarrier.arrive $0xFFFF  }
0xc3: {  	_ =	shalt  }

// kernel: sparse-core-data-format-call.cloned.1.call-start
scs
called_computation_lowered:
.L_overlay_start_0:
0x0: {  	s2 =	sld [smem:$0x3FD9]  }
0x1: {  	s3 =	sld [smem:$0x3FFE];
	_ =	sdelay $0x1  }
0x2: {  	s1 =	srdreg.scid  }
0x3: {  	s0 =	sand.u32 $0x1, s1  }
0x4: {  	s18 =	sshll.u32 s0, $0xA;
	s2 =	sadd.s32 s3, s2  }
0x5: {  	s2 =	sadd.s32 s2, s18  }
0x6: {  	[smem:$0x3FC6] =	sst s2  }
0x7: {  	_ = 	snop  }
0x8: {  	s2 =	sld [smem:$0x3FD0];
	(tm) =	ssettm $0x1  }
0x9: {  	s19 =	sld [smem:$0x3FFB];
	_ =	sdelay $0x3  }
0xa: {  	_ =	strace s19  }
0xb: {  	s3 =	sld [smem:$0x3FFC];
	_ =	sdelay $0x3  }
0xc: {  	_ =	strace s3  }
0xd: {  	s3 =	sld [smem:$0x3FFD];
	_ =	sdelay $0x3  }
0xe: {  	_ =	strace s3  }
0xf: {  	_ =	strace $0x8FFFFFFF  }
0x10: {  	s20 =	sld [smem:$0x3FDB];
	_ =	sdelay $0x1  }
0x11: {  	s4 =	simm.s32 $_scs_section_size  }
0x12: {  	s5 =	simm.s32 $_size__tile_overlayer_lowered;
	s6 =	simm.s32 $_tile_overlayer_lowered  }
0x13: {  	s23 =	simm.s32 $0x1BFF;
	s22 =	sshll.u32 s6, $0x1;
	s3 =	sadd.s32 s4, s20  }
0x14: {  	s7 =	simm.s32 $0x0;
	s21 =	sshll.u32 s5, $0x1;
	s5 =	sadd.s32 s22, s3  }
0x15: {  	[timem:s7], [sflag:s23] =	dma.local [hbm:s5], s21  }
0x16: {  	_ =	swait.ge [sflag:s23], s21  }
0x17: {  	s4 =	ssub.s32 $0x0, s21;
	[sflag:s23] =	ssyncset.done $0x0  }
0x18: {  	[sflag:s23] =	ssyncadd.s32 s4;
	_ =	sdelay $0x1  }
0x19: {  	s24 =	simm.s32 $0x1B8B  }
0x1a: {  	_ =	swait.ge [sflag:s24], $0x1  }
0x1b: {  	[sflag:s24] =	ssyncset.done $0x0  }
0x1c: {  	s26 =	simm.s32 $0x1B8E;
	s25 =	sld [smem:$0x3FFE];
	[sflag:s24] =	ssyncadd.s32 $0xFFFFFFFF  }
0x1d: {  	s27 =	simm.s32 $execute0_lowered;
	[smem:$0x3FD2] =	sst s26  }
0x1e: {  	s5 =	sshll.u32 s27, $0x1;
	_ =	strace $0x80000049;
	[dreg:$0x1] =	wrdreg $0xFFFFFFFF  }
0x1f: {  	s28 =	simm.s32 $_size_execute0_lowered;
	s3 =	sadd.s32 s3, s5;
	[dreg:$0x0] =	wrdreg $0x0  }
0x20: {  	s5 =	sshll.u32 s28, $0x1;
	[dreg:$0x2] =	wrdreg s3  }
0x21: {  	[dreg:$0x3] =	wrdreg s5  }
0x22: {  	[dreg:$0x4] =	wrdreg $0xC0  }
0x23: {  	_ =	task [dreg:s7], $0x5FFFF  }
0x24: {  	[dreg:$0x1] =	wrdreg $0xFFFFFFFF  }
0x25: {  	[dreg:$0x0] =	wrdreg $0x60  }
0x26: {  	[dreg:$0x2] =	wrdreg s25  }
0x27: {  	[dreg:$0x3] =	wrdreg s2  }
0x28: {  	[dreg:$0x4] =	wrdreg $0x9  }
0x29: {  	_ =	task.clear_ibuf [dreg:s7], $0x5FFFF;
	_ =	strace $0x90000049  }
0x2a: {  	s29 =	simm.s32 $0x9;
	_ =	strace $0x8000004B  }
0x2b: {  	_ =	swait.ge [sflag:s29], $0x1  }
0x2c: {  	[sflag:s29] =	ssyncadd.s32 $0xFFFFFFFF  }
0x2d: {  	_ =	strace $0x9000004B  }
0x2e: {  	_ =	sfence  }
0x2f: {  	s30 =	sld [smem:$0x0];
	_ =	sdelay $0x2  }
0x30: {  	s31 =	sshll.u32 s1, $0xD;
	s1 =	sshrl.u32 s1, $0x2  }
0x31: {  	s3 =	sand.u32 $0x4000, s31;
	s1 =	sadd.s32 s1, s30  }
0x32: {  	s0 =	sor.u32 s3, s0;
	s1 =	sshll.u32 s1, $0x11  }
0x33: {  	s0 =	sor.u32 s1, s0  }
0x34: {  	s0 =	sadd.s32 $0x8F2B, s0  }
0x35: {  	[sflag:s0] =	ssyncadd.remote.s32 $0x1  }
0x36: {  	_ =	sfence.sel $0xFFFF  }
0x37: {  	[dreg:$0x0] =	wrdreg $0xFFFFFFFF;
	(pc) =	sbr.abs _section_cstart, $3  }
0x38: {  	[dreg:$0x1] =	wrdreg $0xFFFFFFFF  }
0x39: {  	_ =	task.clear_ibuf [dreg:s7], $0x2FFFF;
	_ =	strace $0x9FFFFFFF  }
0x3a: {  	(tm) =	ssettm $0x7FFFFFFF  }
0x3b: {  	_ =	shalt  }
tec
execute0_lowered:
.L_overlay_start_1:
0x0: {  	(tag) =	ssettag $0x1  }
0x1: {  	s0 =	srdreg.scid  }
0x2: {  	s1 =	sshll.u32 s0, $0x4  }
0x3: {  	s0 =	stileid.u32;
	s1 =	sand.u32 $0x10, s1  }
0x4: {  	s1 =	sor.u32 s0, s1  }
0x5: {  	s6 =	rddreg [dreg:$0x0];
	s4 =	simm.s32 $0x1;
	s2 =	sshll.u32 s1, $0x7  }
0x6: {  	s7 =	simm.s32 $0x2;
	s12 =	simm.s32 $0x0;
	s1 =	ssub.s32 $0x1000, s2  }
0x7: {  	s8 =	simm.s32 $0x8000;
	s13 =	simm.s32 $0x0;
	s3 =	sand.u32 $0xF80, s1  }
0x8: {  	s9 =	simm.s32 $0x0;
	s5 =	sshrl.u32 s1, $0xC;
	p0 =	sne.s32 s3, $0x0  }
.Ltmp0:
0x9: {  	s1 =	rddreg [dreg:$0x2];
	s4 =	simm.s32 @!p0 $0x0;
	(pc) =	sbr.rel .LBB1_1-.Ltmp0, $4  }
0xa: {  	s11 =	simm.s32 $0x0;
	s3 =	rddreg [dreg:$0x1];
	s5 =	sadd.s32 s4, s5  }
0xb: {  	_ =	strace $0x8000004A;
	s4 =	simm.s32 $0x1;
	s5 =	smul.u32 $0xC8, s5  }
0xc: {  	s6 =	sadd.s32 $0x400, s6;
	s10 =	smov.u32 s2;
	[sflag:s4] =	ssyncpa.u1 $0x0  }
0xd: {  	p0 =	por $0x0, $0x0;
	[sflag:s7] =	ssyncpa.u1 $0x0;
	s7 =	sor.u32 $0x1, s5  }
.LBB1_4:
0xe: {  	s16 =	sshll.u32 s13, $0x3;
	s17 =	sand.u32 $0x78, s13  }
0xf: {  	s30 =	sand.u32 $0x7E00, s13;
	s12 =	sshll.u32 s12, $0xF;
	s16 =	sand.u32 $0xC00, s16  }
0x10: {  	[tilespmem:s15+$0x810 ss:$0x81] =	vst.msk $0xffff, v2;
	s31 =	sand.u32 $0x7, s13;
	s16 =	sor.u32 s17, s16;
	s17 =	sadd.s32 s3, s30  }
0x11: {  	[tilespmem:s15+$0x1020 ss:$0x81] =	vst.msk $0xffff, v0;
	s13 =	sshll.u32 s31, $0x12;
	s12 =	sadd.s32 s12, s17;
	s16 =	sshrl.u32 s16, $0x3  }
0x12: {  	[tilespmem:s15+$0x0 ss:$0x81] =	vst.msk $0xffff, v1;
	s13 =	sor.u32 $0x400, s13;
	s12 =	sadd.s32 s16, s12  }
0x13: {  	[hbm4b:s12+s13] =	stream.strided.scatter [tilespmem:s14], [sflag:$0x2], $0x2000, s8, s13, $0x20;
	[tilespmem:$0x8080] =	vst v63  }
.LBB1_5:
0x14: {  	s14 =	sadd.s32 $0x1, s9  }
0x15: {  	s12 =	sadd.s32 $0x1000, s10;
	s16 =	smov.u32 s10;
	p2 =	sgt.s32 s14, $0xC7  }
0x16: {  	s16 =	smov.u32 @p2 s12  }
0x17: {  	s14 =	simm.s32 @p2 $0x0;
	p2 =	sgt.s32 s16, $0xFFF  }
0x18: {  	s16 =	smov.u32 @p2 s2;
	p2 =	sne.s32 s11, s7  }
.Ltmp1:
0x19: {  	p1 =	slt.u32 s11, $0x2;
	(pc) =	sbr.rel @!p2 .LBB1_6-.Ltmp1, $4  }
0x1a: {  	s15 =	simm.s32 @!p1 $0x2  }
0x1b: {  	s13 =	smov.u32 s10;
	p0 =	por !p0, !p0;
	_ =	swait.ge @!p1 [sflag:s15], $0x2000  }
0x1c: {  	s12 =	smov.u32 s9;
	[sflag:s15] =	ssyncset.done @!p1 $0x0;
	s9 =	smov.u32 s14  }
0x1d: {  	s11 =	sadd.s32 $0x1, s11;
	[sflag:s15] =	ssyncadd.s32 @!p1 $0xFFFFE000;
	s10 =	smov.u32 s16  }
.LBB1_1:
0x1e: {  	p1 =	sge.u32 s11, s5  }
0x1f: {  	s14 =	sand.u32 @!p1 $0x1FFFFFF, s9  }
0x20: {  	s15 =	smulhi.u32 @!p1 $0x147AE15, s14;
	_ =	sdelay $0x1  }
0x21: {  	s15 =	smul.u32 @!p1 $0xC8, s15  }
0x22: {  	s16 =	sxor.u32 @!p1 $0xFFFFFFFF, s11;
	s17 =	smul.u32 @!p1 $0xC80, s10  }
0x23: {  	s31 =	sadd.s32 $0xFFFFFFFF, s11;
	s16 =	sshll.u32 @!p1 s16, $0xD;
	s14 =	ssub.s32 @!p1 s14, s15  }
0x24: {  	s15 =	sand.u32 @!p1 $0x2000, s16;
	s16 =	sadd.s32 @!p1 s6, s17;
	s14 =	sshll.u32 @!p1 s14, $0x4  }
0x25: {  	s17 =	simm.s32 @!p1 $0x6400;
	s14 =	sadd.s32 @!p1 s14, s16;
	s16 =	simm.s32 @!p1 $0x40  }
0x26: {  	[tilespmem:s15], [sflag:$0x1] =	stream.strided.gather @!p1 [hbm4b:s14+s16], $0x2000, s17, s16, $0x38;
	[tilespmem:$0x8080] =	vst v63  }
0x27: {  	p1 =	sge.u32 s31, s5  }
.Ltmp2:
0x28: {  	_ = 	snop;
	(pc) =	sbr.rel @p1 .LBB1_5-.Ltmp2, $1  }
0x29: {  	_ =	sdelay $0x3  }
0x2a: {  	s14 =	simm.s32 $0x1  }
0x2b: {  	_ =	swait.ge [sflag:s4], $0x2000;
	s14 =	simm.s32 @!p0 $0x0  }
0x2c: {  	[sflag:s4] =	ssyncset.done $0x0;
	s15 =	sshll.u32 s14, $0xD  }
0x2d: {  	[sflag:s4] =	ssyncadd.s32 $0xFFFFE000;
	s18 =	sor.u32 $0x20, s15  }
0x2e: {  	s14 =	smul.u32 $0x8100, s14;
	v3 =	vld [tilespmem:s18+$0x10]  }
0x2f: {  	s30 =	sand.u32 $0x1, s11;
	v2 =	vld [tilespmem:s18+$0xFFFFFFF0]  }
0x30: {  	s15 =	smul.u32 $0x8100, s30;
	s14 =	sshrl.u32 s14, $0x2;
	v0 =	vld [tilespmem:s18+$0x0]  }
0x31: {  	v1 =	vld [tilespmem:s18+$0xFFFFFFE0];
	s16 =	sor.u32 $0x4000, s14  }
0x32: {  	s31 =	sshrl.u32 s15, $0x2;
	s15 =	sadd.s32 $0x0, s16  }
0x33: {  	s17 =	simm.s32 $0x4;
	s18 =	sadd.s32 $0x40, s18;
	s14 =	sor.u32 $0x4000, s31;
	[tilespmem:s15+$0x1830 ss:$0x81] =	vst.msk $0xffff, v3  }
.LBB1_3:
0x34: {  	v3 =	vld [tilespmem:s18+$0x10];
	p1 =	sne.s32 s17, $0x1FC;
	[tilespmem:s15+$0x810 ss:$0x81] =	vst.msk $0xffff, v2;
	s19 =	smov.u32 s17;
	s17 =	sadd.s32 $0x4, s17  }
.Ltmp3:
0x35: {  	v2 =	vld [tilespmem:s18+$0xFFFFFFF0];
	[tilespmem:s15+$0x1020 ss:$0x81] =	vst.msk $0xffff, v0;
	(pc) =	sbr.rel @p1 .LBB1_3-.Ltmp3, $4  }
0x36: {  	v0 =	vld [tilespmem:s18+$0x0];
	[tilespmem:s15+$0x0 ss:$0x81] =	vst.msk $0xffff, v1  }
0x37: {  	s15 =	sshra.s32 s19, $0x2;
	v1 =	vld [tilespmem:s18+$0xFFFFFFE0]  }
0x38: {  	s15 =	sadd.s32 s15, s16  }
0x39: {  	s18 =	sadd.s32 $0x40, s18;
	[tilespmem:s15+$0x1830 ss:$0x81] =	vst.msk $0xffff, v3  }
.Ltmp4:
0x3a: {  	_ = 	snop;
	(pc) =	sbr.rel .LBB1_4-.Ltmp4, $1  }
0x3b: {  	_ =	sdelay $0x3  }
.LBB1_6:
0x3c: {  	_ =	sfence.sel $0x180000  }
0x3d: {  	s2 =	simm.s32 $0x1;
	[bflag:$0x0] =	sbarrier.arrive $0xFFFF  }
0x3e: {  	s31 =	simm.s32 $0x2;
	[sflag:s2] =	ssyncpa.u1 $0x1  }
0x3f: {  	[sflag:s31] =	ssyncpa.u1 $0x1  }
0x40: {  	p0 =	sne.s32 s0, $0x0;
	_ =	strace $0x9000004A  }
0x41: {  	s0 =	sadd.s32 @!p0 $0x100000, s1;
	[bflag:$0x2] =	sbarrier.arrive $0xFFFF  }
0x42: {  	[sflag:s0] =	ssyncadd.tile.s32 @!p0 $0x1;
	_ =	shalt  }
.Lfunc_end1:
_tile_overlayer_lowered:
.L_overlay_start_2:
0x43: {  	(tag) =	ssettag $0x2  }
0x44: {  	s0 =	rddreg [dreg:$0x0];
	s2 =	stileid.u32  }
0x45: {  	s1 =	rddreg [dreg:$0x1];
	p0 =	sne.s32 s2, $0x0  }
0x46: {  	s3 =	rddreg [dreg:$0x2];
	[bflag:$0x3] =	sbarrier.arrive $0xFFFF;
	s2 =	simm.s32 @!p0 $0x1C01  }
0x47: {  	[timem:s3], [sflag:s2] =	dma.local @!p0 [hbm:s0], s1  }
0x48: {  	s0 =	simm.s32 @!p0 $0x1  }
0x49: {  	_ =	swait.ge @!p0 [sflag:s0], s1  }
0x4a: {  	s1 =	ssub.s32 @!p0 $0x0, s1;
	[sflag:s0] =	ssyncset.done @!p0 $0x0  }
0x4b: {  	[sflag:s0] =	ssyncadd.s32 @!p0 s1  }
0x4c: {  	[bflag:$0x3] =	sbarrier.arrive $0xFFFF  }
0x4d: {  	_ =	shalt  }

</sc_bundles>
